<compile_context>
chip_gen: v7x
topology: tpu7x:2x2x1
jax: 0.10.2.dev20260603
libtpu: 0.0.44.dev20260713+nightly
codegen_flags: <defaults>
</compile_context>

<pallas_src>
import functools

import jax
import jax.numpy as jnp
from jax import lax
from jax.experimental import pallas as pl
from jax.experimental.pallas import tpu as pltpu
from jax.experimental.pallas import tpu_sc as plsc

_NSC = 2
_NSUB = 16


@jax.jit
def _embed_t(x_t, table_t):
    h, b = x_t.shape
    d, v = table_t.shape
    kpc = d // _NSC
    nj = (h + _NSUB - 1) // _NSUB
    mesh = plsc.VectorSubcoreMesh(core_axis_name="c", subcore_axis_name="s")

    @functools.partial(
        pl.kernel,
        out_type=jax.ShapeDtypeStruct((h, d, b), jnp.float32),
        mesh=mesh,
        scratch_types=(
            [pltpu.VMEM((b,), jnp.int32) for _ in range(2)]
            + [pltpu.VMEM((b,), jnp.float32) for _ in range(2)]
            + [pltpu.VMEM_SHARED((v,), jnp.float32)]
            + [pltpu.SemaphoreType.DMA,
               pltpu.SemaphoreType.DMA((2,)),
               pltpu.SemaphoreType.DMA((2,)),
               pltpu.SemaphoreType.DMA((2,))]
        ),
        compiler_params=pltpu.CompilerParams(use_tc_tiling_on_sc=True),
    )
    def kern(xt_hbm, tab_hbm, out_hbm, *refs):
        idx_bufs = refs[:2]
        gbufs = refs[2:4]
        sp = refs[4]
        stsem, issem, gsem, osem = refs[5:]
        cid = lax.axis_index("c")
        sid = lax.axis_index("s")
        k0 = cid * kpc

        @pl.loop(0, kpc)
        def _(kk):
            k = k0 + kk

            for j in range(2):
                pltpu.async_copy(
                    xt_hbm.at[sid + j * _NSUB], idx_bufs[j], issem.at[j])

            @pl.when(sid == 0)
            def _():
                pltpu.async_copy(tab_hbm.at[k], sp, stsem)
                pltpu.make_async_copy(tab_hbm.at[k], sp, stsem).wait()
            plsc.subcore_barrier()

            for j in range(nj):
                p = j % 2
                hj = sid + j * _NSUB
                have = hj < h if j * _NSUB + _NSUB > h else True
                hj2 = hj + 2 * _NSUB

                @pl.when(have)
                def _():
                    pltpu.make_async_copy(
                        xt_hbm.at[hj], idx_bufs[p], issem.at[p]).wait()

                    @pl.when(jnp.logical_or(kk > 0, j >= 2))
                    def _():
                        pltpu.make_async_copy(
                            gbufs[p], out_hbm.at[hj, k], osem.at[p]).wait()
                    pltpu.async_copy(
                        sp.at[idx_bufs[p]], gbufs[p], gsem.at[p])
                    pltpu.make_async_copy(
                        sp.at[idx_bufs[p]], gbufs[p], gsem.at[p]).wait()
                    pltpu.async_copy(gbufs[p], out_hbm.at[hj, k], osem.at[p])
                    if j + 2 < nj:
                        @pl.when(hj2 < h)
                        def _():
                            pltpu.async_copy(
                                xt_hbm.at[hj2], idx_bufs[p], issem.at[p])

            plsc.subcore_barrier()

        for p in (0, 1):
            pltpu.make_async_copy(
                gbufs[p], out_hbm.at[0, k0], osem.at[p]).wait()

    return kern(x_t, table_t)


def kernel(x, table):
    x_t = x.T.astype(jnp.int32)
    table_t = table.T
    out_t = _embed_t(x_t, table_t)
    return out_t.transpose(2, 0, 1)

# --- scband reference (transcript-rebuilt; emitter-appended) ---
"""Pipeline reference for scband-embedding-5257039970443 (READ-ONLY COPY).

The authoritative reference and input builder live on the scoring server;
editing this copy changes nothing except your own understanding.
"""

import jax, jax.numpy as jnp
import numpy as np

VOCAB = 1000000
EMBED_DIM = 32
BATCH = 16384
HIST = 50

def setup_inputs(seed: int = 0) -> dict:
    key = jax.random.key(seed)
    k_idx, k_tab = jax.random.split(key)
    x = jax.random.randint(k_idx, (BATCH, HIST), 0, VOCAB, dtype=jnp.int64 if jax.config.jax_enable_x64 else jnp.int32)
    table = jax.random.normal(k_tab, (VOCAB, EMBED_DIM), dtype=jnp.float32) * 0.02
    return {"x": x, "table": table}

def reference(x, table):
    # nn.Embedding forward: row-gather from the embedding table
    return jnp.take(table, x, axis=0)

if __name__ == "__main__":
    import jax
    _d = setup_inputs()
    print(jax.jit(kernel)(*tuple(_d.values())))

</pallas_src>

<mosaic_0001>
#map = affine_map<(d0, d1) -> (0, 0)>
#map1 = affine_map<(d0, d1) -> (0, 0, 0)>
module attributes {stable_mosaic.version = 14 : i64} {
  func.func @kern(%arg0: i32, %arg1: i32, %arg2: memref<50x16384xi32, #tpu.memory_space<hbm>>, %arg3: memref<32x1000000xf32, #tpu.memory_space<hbm>>, %arg4: memref<50x32x16384xf32, #tpu.memory_space<hbm>>, %arg5: memref<16384xi32, #tpu.memory_space<vmem>>, %arg6: memref<16384xi32, #tpu.memory_space<vmem>>, %arg7: memref<16384xf32, #tpu.memory_space<vmem>>, %arg8: memref<16384xf32, #tpu.memory_space<vmem>>, %arg9: memref<1000000xf32, #tpu.memory_space<vmem_shared>>, %arg10: memref<!tpu.dma_semaphore, #tpu.memory_space<semaphore_mem>>, %arg11: memref<2x!tpu.dma_semaphore, #tpu.memory_space<semaphore_mem>>, %arg12: memref<2x!tpu.dma_semaphore, #tpu.memory_space<semaphore_mem>>, %arg13: memref<2x!tpu.dma_semaphore, #tpu.memory_space<semaphore_mem>>) attributes {dimension_semantics = [#tpu.dimension_semantics<core_parallel>, #tpu.dimension_semantics<subcore_parallel>], iteration_bounds = array<i64: 2, 16>, scalar_prefetch = 0 : i64, scratch_operands = 9 : i64, tpu.core_type = #tpu.core_type<sc_vector_subcore>, window_params = [{transform_indices = #map}, {transform_indices = #map}, {transform_indices = #map1}]} {
    %mul3A = arith.constant 16 : i32
    %mul3A_0 = arith.muli %arg0, %mul3A : i32
    %scan3A = arith.constant 0 : i32
    %scan3A_1 = arith.constant 16 : i32
    %scan3A_2 = arith.addi %scan3A, %scan3A_1 : i32
    %scan3A_3 = arith.constant 1 : i32
    scf.for %scan3A_24 = %scan3A to %scan3A_2 step %scan3A_3  : i32 {
      %mul3A_25 = arith.constant 1 : i32
      %mul3A_26 = arith.muli %scan3A_24, %mul3A_25 : i32
      %add3A = arith.constant 0 : i32
      %add3A_27 = arith.addi %add3A, %mul3A_26 : i32
      %add3A_28 = arith.addi %mul3A_0, %add3A_27 : i32
      %add3A_29 = arith.constant 0 : i32
      %add3A_30 = arith.addi %arg1, %add3A_29 : i32
      %dma_start3A = arith.constant 0 : i32
      %dma_start3A_31 = arith.constant 0 : i32
      %dma_start3A_32 = tpu.memref_slice %arg2[%add3A_30, %dma_start3A_31] : memref<50x16384xi32, #tpu.memory_space<hbm>> -> memref<1x16384xi32, #tpu.memory_space<hbm>>
      %dma_start3A_33 = tpu.memref_squeeze %dma_start3A_32 : memref<1x16384xi32, #tpu.memory_space<hbm>> -> memref<16384xi32, #tpu.memory_space<hbm>>
      %dma_start3A_34 = tpu.memref_slice %arg11[%dma_start3A] : memref<2x!tpu.dma_semaphore, #tpu.memory_space<semaphore_mem>> -> memref<1x!tpu.dma_semaphore, #tpu.memory_space<semaphore_mem>>
      %dma_start3A_35 = tpu.memref_squeeze %dma_start3A_34 : memref<1x!tpu.dma_semaphore, #tpu.memory_space<semaphore_mem>> -> memref<!tpu.dma_semaphore, #tpu.memory_space<semaphore_mem>>
      %dma_start3A_36 = arith.constant 0 : i32
      %dma_start3A_37 = tpu.memref_slice %arg2[%add3A_30, %dma_start3A_36] : memref<50x16384xi32, #tpu.memory_space<hbm>> -> memref<1x16384xi32, #tpu.memory_space<hbm>>
      %dma_start3A_38 = tpu.memref_squeeze %dma_start3A_37 : memref<1x16384xi32, #tpu.memory_space<hbm>> -> memref<16384xi32, #tpu.memory_space<hbm>>
      tpu.enqueue_dma source(%dma_start3A_38 : memref<16384xi32, #tpu.memory_space<hbm>>) target(%arg5 : memref<16384xi32, #tpu.memory_space<vmem>>) target_semaphore(%dma_start3A_35 : memref<!tpu.dma_semaphore, #tpu.memory_space<semaphore_mem>>)
      %add3A_39 = arith.constant 16 : i32
      %add3A_40 = arith.addi %arg1, %add3A_39 : i32
      %dma_start3A_41 = arith.constant 1 : i32
      %dma_start3A_42 = arith.constant 0 : i32
      %dma_start3A_43 = tpu.memref_slice %arg2[%add3A_40, %dma_start3A_42] : memref<50x16384xi32, #tpu.memory_space<hbm>> -> memref<1x16384xi32, #tpu.memory_space<hbm>>
      %dma_start3A_44 = tpu.memref_squeeze %dma_start3A_43 : memref<1x16384xi32, #tpu.memory_space<hbm>> -> memref<16384xi32, #tpu.memory_space<hbm>>
      %dma_start3A_45 = tpu.memref_slice %arg11[%dma_start3A_41] : memref<2x!tpu.dma_semaphore, #tpu.memory_space<semaphore_mem>> -> memref<1x!tpu.dma_semaphore, #tpu.memory_space<semaphore_mem>>
      %dma_start3A_46 = tpu.memref_squeeze %dma_start3A_45 : memref<1x!tpu.dma_semaphore, #tpu.memory_space<semaphore_mem>> -> memref<!tpu.dma_semaphore, #tpu.memory_space<semaphore_mem>>
      %dma_start3A_47 = arith.constant 0 : i32
      %dma_start3A_48 = tpu.memref_slice %arg2[%add3A_40, %dma_start3A_47] : memref<50x16384xi32, #tpu.memory_space<hbm>> -> memref<1x16384xi32, #tpu.memory_space<hbm>>
      %dma_start3A_49 = tpu.memref_squeeze %dma_start3A_48 : memref<1x16384xi32, #tpu.memory_space<hbm>> -> memref<16384xi32, #tpu.memory_space<hbm>>
      tpu.enqueue_dma source(%dma_start3A_49 : memref<16384xi32, #tpu.memory_space<hbm>>) target(%arg6 : memref<16384xi32, #tpu.memory_space<vmem>>) target_semaphore(%dma_start3A_46 : memref<!tpu.dma_semaphore, #tpu.memory_space<semaphore_mem>>)
      %eq3A = arith.constant 0 : i32
      %eq3A_50 = arith.cmpi eq, %arg1, %eq3A : i32
      %convert_element_type3A = arith.extui %eq3A_50 : i1 to i32
      %cond3A = arith.constant 0 : i32
      %cond3A_51 = arith.cmpi ne, %convert_element_type3A, %cond3A : i32
      scf.if %cond3A_51 {
        %dma_start3A_186 = arith.constant 0 : i32
        %dma_start3A_187 = tpu.memref_slice %arg3[%add3A_28, %dma_start3A_186] : memref<32x1000000xf32, #tpu.memory_space<hbm>> -> memref<1x1000000xf32, #tpu.memory_space<hbm>>
        %dma_start3A_188 = tpu.memref_squeeze %dma_start3A_187 : memref<1x1000000xf32, #tpu.memory_space<hbm>> -> memref<1000000xf32, #tpu.memory_space<hbm>>
        tpu.enqueue_dma source(%dma_start3A_188 : memref<1000000xf32, #tpu.memory_space<hbm>>) target(%arg9 : memref<1000000xf32, #tpu.memory_space<vmem_shared>>) target_semaphore(%arg10 : memref<!tpu.dma_semaphore, #tpu.memory_space<semaphore_mem>>)
        %dma_wait3A_189 = arith.constant 0 : i32
        %dma_wait3A_190 = tpu.memref_slice %arg3[%add3A_28, %dma_wait3A_189] : memref<32x1000000xf32, #tpu.memory_space<hbm>> -> memref<1x1000000xf32, #tpu.memory_space<hbm>>
        %dma_wait3A_191 = tpu.memref_squeeze %dma_wait3A_190 : memref<1x1000000xf32, #tpu.memory_space<hbm>> -> memref<1000000xf32, #tpu.memory_space<hbm>>
        tpu.wait_dma2 semaphore(%arg10 : memref<!tpu.dma_semaphore, #tpu.memory_space<semaphore_mem>>) src(%dma_wait3A_191 : memref<1000000xf32, #tpu.memory_space<hbm>>) dst(%arg9 : memref<1000000xf32, #tpu.memory_space<vmem_shared>>)
      } else {
      }
      %barrier3A = arith.constant 0 : index
      tpu.barrier barrier_id(%barrier3A)
      %add3A_52 = arith.constant 0 : i32
      %add3A_53 = arith.addi %arg1, %add3A_52 : i32
      %add3A_54 = arith.constant 32 : i32
      %add3A_55 = arith.addi %add3A_53, %add3A_54 : i32
      %dma_wait3A_56 = arith.constant 0 : i32
      %dma_wait3A_57 = arith.constant 0 : i32
      %dma_wait3A_58 = tpu.memref_slice %arg2[%add3A_53, %dma_wait3A_57] : memref<50x16384xi32, #tpu.memory_space<hbm>> -> memref<1x16384xi32, #tpu.memory_space<hbm>>
      %dma_wait3A_59 = tpu.memref_squeeze %dma_wait3A_58 : memref<1x16384xi32, #tpu.memory_space<hbm>> -> memref<16384xi32, #tpu.memory_space<hbm>>
      %dma_wait3A_60 = tpu.memref_slice %arg11[%dma_wait3A_56] : memref<2x!tpu.dma_semaphore, #tpu.memory_space<semaphore_mem>> -> memref<1x!tpu.dma_semaphore, #tpu.memory_space<semaphore_mem>>
      %dma_wait3A_61 = tpu.memref_squeeze %dma_wait3A_60 : memref<1x!tpu.dma_semaphore, #tpu.memory_space<semaphore_mem>> -> memref<!tpu.dma_semaphore, #tpu.memory_space<semaphore_mem>>
      %dma_wait3A_62 = arith.constant 0 : i32
      %dma_wait3A_63 = tpu.memref_slice %arg2[%add3A_53, %dma_wait3A_62] : memref<50x16384xi32, #tpu.memory_space<hbm>> -> memref<1x16384xi32, #tpu.memory_space<hbm>>
      %dma_wait3A_64 = tpu.memref_squeeze %dma_wait3A_63 : memref<1x16384xi32, #tpu.memory_space<hbm>> -> memref<16384xi32, #tpu.memory_space<hbm>>
      tpu.wait_dma2 semaphore(%dma_wait3A_61 : memref<!tpu.dma_semaphore, #tpu.memory_space<semaphore_mem>>) src(%dma_wait3A_64 : memref<16384xi32, #tpu.memory_space<hbm>>) dst(%arg5 : memref<16384xi32, #tpu.memory_space<vmem>>)
      %gt3A = arith.constant 0 : i32
      %gt3A_65 = arith.cmpi sgt, %add3A_27, %gt3A : i32
      %or3A = arith.constant false
      %or3A_66 = arith.ori %gt3A_65, %or3A : i1
      %convert_element_type3A_67 = arith.extui %or3A_66 : i1 to i32
      %cond3A_68 = arith.constant 0 : i32
      %cond3A_69 = arith.cmpi ne, %convert_element_type3A_67, %cond3A_68 : i32
      scf.if %cond3A_69 {
        %dma_wait3A_186 = arith.constant 0 : i32
        %dma_wait3A_187 = arith.constant 0 : i32
        %dma_wait3A_188 = tpu.memref_slice %arg4[%add3A_53, %add3A_28, %dma_wait3A_187] : memref<50x32x16384xf32, #tpu.memory_space<hbm>> -> memref<1x1x16384xf32, #tpu.memory_space<hbm>>
        %dma_wait3A_189 = tpu.memref_squeeze %dma_wait3A_188 : memref<1x1x16384xf32, #tpu.memory_space<hbm>> -> memref<16384xf32, #tpu.memory_space<hbm>>
        %dma_wait3A_190 = tpu.memref_slice %arg13[%dma_wait3A_186] : memref<2x!tpu.dma_semaphore, #tpu.memory_space<semaphore_mem>> -> memref<1x!tpu.dma_semaphore, #tpu.memory_space<semaphore_mem>>
        %dma_wait3A_191 = tpu.memref_squeeze %dma_wait3A_190 : memref<1x!tpu.dma_semaphore, #tpu.memory_space<semaphore_mem>> -> memref<!tpu.dma_semaphore, #tpu.memory_space<semaphore_mem>>
        %dma_wait3A_192 = arith.constant 0 : i32
        %dma_wait3A_193 = tpu.memref_slice %arg4[%add3A_53, %add3A_28, %dma_wait3A_192] : memref<50x32x16384xf32, #tpu.memory_space<hbm>> -> memref<1x1x16384xf32, #tpu.memory_space<hbm>>
        %dma_wait3A_194 = tpu.memref_squeeze %dma_wait3A_193 : memref<1x1x16384xf32, #tpu.memory_space<hbm>> -> memref<16384xf32, #tpu.memory_space<hbm>>
        tpu.wait_dma2 semaphore(%dma_wait3A_191 : memref<!tpu.dma_semaphore, #tpu.memory_space<semaphore_mem>>) src(%arg7 : memref<16384xf32, #tpu.memory_space<vmem>>) dst(%dma_wait3A_194 : memref<16384xf32, #tpu.memory_space<hbm>>)
      } else {
      }
      %dma_start3A_70 = arith.constant 0 : i32
      %dma_start3A_71 = arith.constant 0 : i32
      %dma_start3A_72 = tpu.memref_slice %arg9[%dma_start3A_71] : memref<1000000xf32, #tpu.memory_space<vmem_shared>> -> memref<1000000xf32, #tpu.memory_space<vmem_shared>>
      %dma_start3A_73 = tpu.memref_slice %arg12[%dma_start3A_70] : memref<2x!tpu.dma_semaphore, #tpu.memory_space<semaphore_mem>> -> memref<1x!tpu.dma_semaphore, #tpu.memory_space<semaphore_mem>>
      %dma_start3A_74 = tpu.memref_squeeze %dma_start3A_73 : memref<1x!tpu.dma_semaphore, #tpu.memory_space<semaphore_mem>> -> memref<!tpu.dma_semaphore, #tpu.memory_space<semaphore_mem>>
      tpu.enqueue_indirect_dma source(%dma_start3A_72 : memref<1000000xf32, #tpu.memory_space<vmem_shared>>) target(%arg7 : memref<16384xf32, #tpu.memory_space<vmem>>) offsets(%arg5 : memref<16384xi32, #tpu.memory_space<vmem>>) semaphore(%dma_start3A_74 : memref<!tpu.dma_semaphore, #tpu.memory_space<semaphore_mem>>)
      %dma_wait3A_75 = arith.constant 0 : i32
      %dma_wait3A_76 = arith.constant 0 : i32
      %dma_wait3A_77 = tpu.memref_slice %arg9[%dma_wait3A_76] : memref<1000000xf32, #tpu.memory_space<vmem_shared>> -> memref<1000000xf32, #tpu.memory_space<vmem_shared>>
      %dma_wait3A_78 = tpu.memref_slice %arg12[%dma_wait3A_75] : memref<2x!tpu.dma_semaphore, #tpu.memory_space<semaphore_mem>> -> memref<1x!tpu.dma_semaphore, #tpu.memory_space<semaphore_mem>>
      %dma_wait3A_79 = tpu.memref_squeeze %dma_wait3A_78 : memref<1x!tpu.dma_semaphore, #tpu.memory_space<semaphore_mem>> -> memref<!tpu.dma_semaphore, #tpu.memory_space<semaphore_mem>>
      tpu.wait_indirect_dma semaphore(%dma_wait3A_79 : memref<!tpu.dma_semaphore, #tpu.memory_space<semaphore_mem>>) src(%dma_wait3A_77 : memref<1000000xf32, #tpu.memory_space<vmem_shared>>) dst(%arg7 : memref<16384xf32, #tpu.memory_space<vmem>>)
      %dma_start3A_80 = arith.constant 0 : i32
      %dma_start3A_81 = arith.constant 0 : i32
      %dma_start3A_82 = tpu.memref_slice %arg4[%add3A_53, %add3A_28, %dma_start3A_81] : memref<50x32x16384xf32, #tpu.memory_space<hbm>> -> memref<1x1x16384xf32, #tpu.memory_space<hbm>>
      %dma_start3A_83 = tpu.memref_squeeze %dma_start3A_82 : memref<1x1x16384xf32, #tpu.memory_space<hbm>> -> memref<16384xf32, #tpu.memory_space<hbm>>
      %dma_start3A_84 = tpu.memref_slice %arg13[%dma_start3A_80] : memref<2x!tpu.dma_semaphore, #tpu.memory_space<semaphore_mem>> -> memref<1x!tpu.dma_semaphore, #tpu.memory_space<semaphore_mem>>
      %dma_start3A_85 = tpu.memref_squeeze %dma_start3A_84 : memref<1x!tpu.dma_semaphore, #tpu.memory_space<semaphore_mem>> -> memref<!tpu.dma_semaphore, #tpu.memory_space<semaphore_mem>>
      %dma_start3A_86 = arith.constant 0 : i32
      %dma_start3A_87 = tpu.memref_slice %arg4[%add3A_53, %add3A_28, %dma_start3A_86] : memref<50x32x16384xf32, #tpu.memory_space<hbm>> -> memref<1x1x16384xf32, #tpu.memory_space<hbm>>
      %dma_start3A_88 = tpu.memref_squeeze %dma_start3A_87 : memref<1x1x16384xf32, #tpu.memory_space<hbm>> -> memref<16384xf32, #tpu.memory_space<hbm>>
      tpu.enqueue_dma source(%arg7 : memref<16384xf32, #tpu.memory_space<vmem>>) target(%dma_start3A_88 : memref<16384xf32, #tpu.memory_space<hbm>>) target_semaphore(%dma_start3A_85 : memref<!tpu.dma_semaphore, #tpu.memory_space<semaphore_mem>>)
      %lt3A = arith.constant 50 : i32
      %lt3A_89 = arith.cmpi slt, %add3A_55, %lt3A : i32
      %convert_element_type3A_90 = arith.extui %lt3A_89 : i1 to i32
      %cond3A_91 = arith.constant 0 : i32
      %cond3A_92 = arith.cmpi ne, %convert_element_type3A_90, %cond3A_91 : i32
      scf.if %cond3A_92 {
        %dma_start3A_186 = arith.constant 0 : i32
        %dma_start3A_187 = arith.constant 0 : i32
        %dma_start3A_188 = tpu.memref_slice %arg2[%add3A_55, %dma_start3A_187] : memref<50x16384xi32, #tpu.memory_space<hbm>> -> memref<1x16384xi32, #tpu.memory_space<hbm>>
        %dma_start3A_189 = tpu.memref_squeeze %dma_start3A_188 : memref<1x16384xi32, #tpu.memory_space<hbm>> -> memref<16384xi32, #tpu.memory_space<hbm>>
        %dma_start3A_190 = tpu.memref_slice %arg11[%dma_start3A_186] : memref<2x!tpu.dma_semaphore, #tpu.memory_space<semaphore_mem>> -> memref<1x!tpu.dma_semaphore, #tpu.memory_space<semaphore_mem>>
        %dma_start3A_191 = tpu.memref_squeeze %dma_start3A_190 : memref<1x!tpu.dma_semaphore, #tpu.memory_space<semaphore_mem>> -> memref<!tpu.dma_semaphore, #tpu.memory_space<semaphore_mem>>
        %dma_start3A_192 = arith.constant 0 : i32
        %dma_start3A_193 = tpu.memref_slice %arg2[%add3A_55, %dma_start3A_192] : memref<50x16384xi32, #tpu.memory_space<hbm>> -> memref<1x16384xi32, #tpu.memory_space<hbm>>
        %dma_start3A_194 = tpu.memref_squeeze %dma_start3A_193 : memref<1x16384xi32, #tpu.memory_space<hbm>> -> memref<16384xi32, #tpu.memory_space<hbm>>
        tpu.enqueue_dma source(%dma_start3A_194 : memref<16384xi32, #tpu.memory_space<hbm>>) target(%arg5 : memref<16384xi32, #tpu.memory_space<vmem>>) target_semaphore(%dma_start3A_191 : memref<!tpu.dma_semaphore, #tpu.memory_space<semaphore_mem>>)
      } else {
      }
      %add3A_93 = arith.constant 16 : i32
      %add3A_94 = arith.addi %arg1, %add3A_93 : i32
      %add3A_95 = arith.constant 32 : i32
      %add3A_96 = arith.addi %add3A_94, %add3A_95 : i32
      %dma_wait3A_97 = arith.constant 1 : i32
      %dma_wait3A_98 = arith.constant 0 : i32
      %dma_wait3A_99 = tpu.memref_slice %arg2[%add3A_94, %dma_wait3A_98] : memref<50x16384xi32, #tpu.memory_space<hbm>> -> memref<1x16384xi32, #tpu.memory_space<hbm>>
      %dma_wait3A_100 = tpu.memref_squeeze %dma_wait3A_99 : memref<1x16384xi32, #tpu.memory_space<hbm>> -> memref<16384xi32, #tpu.memory_space<hbm>>
      %dma_wait3A_101 = tpu.memref_slice %arg11[%dma_wait3A_97] : memref<2x!tpu.dma_semaphore, #tpu.memory_space<semaphore_mem>> -> memref<1x!tpu.dma_semaphore, #tpu.memory_space<semaphore_mem>>
      %dma_wait3A_102 = tpu.memref_squeeze %dma_wait3A_101 : memref<1x!tpu.dma_semaphore, #tpu.memory_space<semaphore_mem>> -> memref<!tpu.dma_semaphore, #tpu.memory_space<semaphore_mem>>
      %dma_wait3A_103 = arith.constant 0 : i32
      %dma_wait3A_104 = tpu.memref_slice %arg2[%add3A_94, %dma_wait3A_103] : memref<50x16384xi32, #tpu.memory_space<hbm>> -> memref<1x16384xi32, #tpu.memory_space<hbm>>
      %dma_wait3A_105 = tpu.memref_squeeze %dma_wait3A_104 : memref<1x16384xi32, #tpu.memory_space<hbm>> -> memref<16384xi32, #tpu.memory_space<hbm>>
      tpu.wait_dma2 semaphore(%dma_wait3A_102 : memref<!tpu.dma_semaphore, #tpu.memory_space<semaphore_mem>>) src(%dma_wait3A_105 : memref<16384xi32, #tpu.memory_space<hbm>>) dst(%arg6 : memref<16384xi32, #tpu.memory_space<vmem>>)
      %gt3A_106 = arith.constant 0 : i32
      %gt3A_107 = arith.cmpi sgt, %add3A_27, %gt3A_106 : i32
      %or3A_108 = arith.constant false
      %or3A_109 = arith.ori %gt3A_107, %or3A_108 : i1
      %convert_element_type3A_110 = arith.extui %or3A_109 : i1 to i32
      %cond3A_111 = arith.constant 0 : i32
      %cond3A_112 = arith.cmpi ne, %convert_element_type3A_110, %cond3A_111 : i32
      scf.if %cond3A_112 {
        %dma_wait3A_186 = arith.constant 1 : i32
        %dma_wait3A_187 = arith.constant 0 : i32
        %dma_wait3A_188 = tpu.memref_slice %arg4[%add3A_94, %add3A_28, %dma_wait3A_187] : memref<50x32x16384xf32, #tpu.memory_space<hbm>> -> memref<1x1x16384xf32, #tpu.memory_space<hbm>>
        %dma_wait3A_189 = tpu.memref_squeeze %dma_wait3A_188 : memref<1x1x16384xf32, #tpu.memory_space<hbm>> -> memref<16384xf32, #tpu.memory_space<hbm>>
        %dma_wait3A_190 = tpu.memref_slice %arg13[%dma_wait3A_186] : memref<2x!tpu.dma_semaphore, #tpu.memory_space<semaphore_mem>> -> memref<1x!tpu.dma_semaphore, #tpu.memory_space<semaphore_mem>>
        %dma_wait3A_191 = tpu.memref_squeeze %dma_wait3A_190 : memref<1x!tpu.dma_semaphore, #tpu.memory_space<semaphore_mem>> -> memref<!tpu.dma_semaphore, #tpu.memory_space<semaphore_mem>>
        %dma_wait3A_192 = arith.constant 0 : i32
        %dma_wait3A_193 = tpu.memref_slice %arg4[%add3A_94, %add3A_28, %dma_wait3A_192] : memref<50x32x16384xf32, #tpu.memory_space<hbm>> -> memref<1x1x16384xf32, #tpu.memory_space<hbm>>
        %dma_wait3A_194 = tpu.memref_squeeze %dma_wait3A_193 : memref<1x1x16384xf32, #tpu.memory_space<hbm>> -> memref<16384xf32, #tpu.memory_space<hbm>>
        tpu.wait_dma2 semaphore(%dma_wait3A_191 : memref<!tpu.dma_semaphore, #tpu.memory_space<semaphore_mem>>) src(%arg8 : memref<16384xf32, #tpu.memory_space<vmem>>) dst(%dma_wait3A_194 : memref<16384xf32, #tpu.memory_space<hbm>>)
      } else {
      }
      %dma_start3A_113 = arith.constant 1 : i32
      %dma_start3A_114 = arith.constant 0 : i32
      %dma_start3A_115 = tpu.memref_slice %arg9[%dma_start3A_114] : memref<1000000xf32, #tpu.memory_space<vmem_shared>> -> memref<1000000xf32, #tpu.memory_space<vmem_shared>>
      %dma_start3A_116 = tpu.memref_slice %arg12[%dma_start3A_113] : memref<2x!tpu.dma_semaphore, #tpu.memory_space<semaphore_mem>> -> memref<1x!tpu.dma_semaphore, #tpu.memory_space<semaphore_mem>>
      %dma_start3A_117 = tpu.memref_squeeze %dma_start3A_116 : memref<1x!tpu.dma_semaphore, #tpu.memory_space<semaphore_mem>> -> memref<!tpu.dma_semaphore, #tpu.memory_space<semaphore_mem>>
      tpu.enqueue_indirect_dma source(%dma_start3A_115 : memref<1000000xf32, #tpu.memory_space<vmem_shared>>) target(%arg8 : memref<16384xf32, #tpu.memory_space<vmem>>) offsets(%arg6 : memref<16384xi32, #tpu.memory_space<vmem>>) semaphore(%dma_start3A_117 : memref<!tpu.dma_semaphore, #tpu.memory_space<semaphore_mem>>)
      %dma_wait3A_118 = arith.constant 1 : i32
      %dma_wait3A_119 = arith.constant 0 : i32
      %dma_wait3A_120 = tpu.memref_slice %arg9[%dma_wait3A_119] : memref<1000000xf32, #tpu.memory_space<vmem_shared>> -> memref<1000000xf32, #tpu.memory_space<vmem_shared>>
      %dma_wait3A_121 = tpu.memref_slice %arg12[%dma_wait3A_118] : memref<2x!tpu.dma_semaphore, #tpu.memory_space<semaphore_mem>> -> memref<1x!tpu.dma_semaphore, #tpu.memory_space<semaphore_mem>>
      %dma_wait3A_122 = tpu.memref_squeeze %dma_wait3A_121 : memref<1x!tpu.dma_semaphore, #tpu.memory_space<semaphore_mem>> -> memref<!tpu.dma_semaphore, #tpu.memory_space<semaphore_mem>>
      tpu.wait_indirect_dma semaphore(%dma_wait3A_122 : memref<!tpu.dma_semaphore, #tpu.memory_space<semaphore_mem>>) src(%dma_wait3A_120 : memref<1000000xf32, #tpu.memory_space<vmem_shared>>) dst(%arg8 : memref<16384xf32, #tpu.memory_space<vmem>>)
      %dma_start3A_123 = arith.constant 1 : i32
      %dma_start3A_124 = arith.constant 0 : i32
      %dma_start3A_125 = tpu.memref_slice %arg4[%add3A_94, %add3A_28, %dma_start3A_124] : memref<50x32x16384xf32, #tpu.memory_space<hbm>> -> memref<1x1x16384xf32, #tpu.memory_space<hbm>>
      %dma_start3A_126 = tpu.memref_squeeze %dma_start3A_125 : memref<1x1x16384xf32, #tpu.memory_space<hbm>> -> memref<16384xf32, #tpu.memory_space<hbm>>
      %dma_start3A_127 = tpu.memref_slice %arg13[%dma_start3A_123] : memref<2x!tpu.dma_semaphore, #tpu.memory_space<semaphore_mem>> -> memref<1x!tpu.dma_semaphore, #tpu.memory_space<semaphore_mem>>
      %dma_start3A_128 = tpu.memref_squeeze %dma_start3A_127 : memref<1x!tpu.dma_semaphore, #tpu.memory_space<semaphore_mem>> -> memref<!tpu.dma_semaphore, #tpu.memory_space<semaphore_mem>>
      %dma_start3A_129 = arith.constant 0 : i32
      %dma_start3A_130 = tpu.memref_slice %arg4[%add3A_94, %add3A_28, %dma_start3A_129] : memref<50x32x16384xf32, #tpu.memory_space<hbm>> -> memref<1x1x16384xf32, #tpu.memory_space<hbm>>
      %dma_start3A_131 = tpu.memref_squeeze %dma_start3A_130 : memref<1x1x16384xf32, #tpu.memory_space<hbm>> -> memref<16384xf32, #tpu.memory_space<hbm>>
      tpu.enqueue_dma source(%arg8 : memref<16384xf32, #tpu.memory_space<vmem>>) target(%dma_start3A_131 : memref<16384xf32, #tpu.memory_space<hbm>>) target_semaphore(%dma_start3A_128 : memref<!tpu.dma_semaphore, #tpu.memory_space<semaphore_mem>>)
      %lt3A_132 = arith.constant 50 : i32
      %lt3A_133 = arith.cmpi slt, %add3A_96, %lt3A_132 : i32
      %convert_element_type3A_134 = arith.extui %lt3A_133 : i1 to i32
      %cond3A_135 = arith.constant 0 : i32
      %cond3A_136 = arith.cmpi ne, %convert_element_type3A_134, %cond3A_135 : i32
      scf.if %cond3A_136 {
        %dma_start3A_186 = arith.constant 1 : i32
        %dma_start3A_187 = arith.constant 0 : i32
        %dma_start3A_188 = tpu.memref_slice %arg2[%add3A_96, %dma_start3A_187] : memref<50x16384xi32, #tpu.memory_space<hbm>> -> memref<1x16384xi32, #tpu.memory_space<hbm>>
        %dma_start3A_189 = tpu.memref_squeeze %dma_start3A_188 : memref<1x16384xi32, #tpu.memory_space<hbm>> -> memref<16384xi32, #tpu.memory_space<hbm>>
        %dma_start3A_190 = tpu.memref_slice %arg11[%dma_start3A_186] : memref<2x!tpu.dma_semaphore, #tpu.memory_space<semaphore_mem>> -> memref<1x!tpu.dma_semaphore, #tpu.memory_space<semaphore_mem>>
        %dma_start3A_191 = tpu.memref_squeeze %dma_start3A_190 : memref<1x!tpu.dma_semaphore, #tpu.memory_space<semaphore_mem>> -> memref<!tpu.dma_semaphore, #tpu.memory_space<semaphore_mem>>
        %dma_start3A_192 = arith.constant 0 : i32
        %dma_start3A_193 = tpu.memref_slice %arg2[%add3A_96, %dma_start3A_192] : memref<50x16384xi32, #tpu.memory_space<hbm>> -> memref<1x16384xi32, #tpu.memory_space<hbm>>
        %dma_start3A_194 = tpu.memref_squeeze %dma_start3A_193 : memref<1x16384xi32, #tpu.memory_space<hbm>> -> memref<16384xi32, #tpu.memory_space<hbm>>
        tpu.enqueue_dma source(%dma_start3A_194 : memref<16384xi32, #tpu.memory_space<hbm>>) target(%arg6 : memref<16384xi32, #tpu.memory_space<vmem>>) target_semaphore(%dma_start3A_191 : memref<!tpu.dma_semaphore, #tpu.memory_space<semaphore_mem>>)
      } else {
      }
      %add3A_137 = arith.constant 32 : i32
      %add3A_138 = arith.addi %arg1, %add3A_137 : i32
      %add3A_139 = arith.constant 32 : i32
      %add3A_140 = arith.addi %add3A_138, %add3A_139 : i32
      %dma_wait3A_141 = arith.constant 0 : i32
      %dma_wait3A_142 = arith.constant 0 : i32
      %dma_wait3A_143 = tpu.memref_slice %arg2[%add3A_138, %dma_wait3A_142] : memref<50x16384xi32, #tpu.memory_space<hbm>> -> memref<1x16384xi32, #tpu.memory_space<hbm>>
      %dma_wait3A_144 = tpu.memref_squeeze %dma_wait3A_143 : memref<1x16384xi32, #tpu.memory_space<hbm>> -> memref<16384xi32, #tpu.memory_space<hbm>>
      %dma_wait3A_145 = tpu.memref_slice %arg11[%dma_wait3A_141] : memref<2x!tpu.dma_semaphore, #tpu.memory_space<semaphore_mem>> -> memref<1x!tpu.dma_semaphore, #tpu.memory_space<semaphore_mem>>
      %dma_wait3A_146 = tpu.memref_squeeze %dma_wait3A_145 : memref<1x!tpu.dma_semaphore, #tpu.memory_space<semaphore_mem>> -> memref<!tpu.dma_semaphore, #tpu.memory_space<semaphore_mem>>
      %dma_wait3A_147 = arith.constant 0 : i32
      %dma_wait3A_148 = tpu.memref_slice %arg2[%add3A_138, %dma_wait3A_147] : memref<50x16384xi32, #tpu.memory_space<hbm>> -> memref<1x16384xi32, #tpu.memory_space<hbm>>
      %dma_wait3A_149 = tpu.memref_squeeze %dma_wait3A_148 : memref<1x16384xi32, #tpu.memory_space<hbm>> -> memref<16384xi32, #tpu.memory_space<hbm>>
      tpu.wait_dma2 semaphore(%dma_wait3A_146 : memref<!tpu.dma_semaphore, #tpu.memory_space<semaphore_mem>>) src(%dma_wait3A_149 : memref<16384xi32, #tpu.memory_space<hbm>>) dst(%arg5 : memref<16384xi32, #tpu.memory_space<vmem>>)
      %gt3A_150 = arith.constant 0 : i32
      %gt3A_151 = arith.cmpi sgt, %add3A_27, %gt3A_150 : i32
      %or3A_152 = arith.constant true
      %or3A_153 = arith.ori %gt3A_151, %or3A_152 : i1
      %convert_element_type3A_154 = arith.extui %or3A_153 : i1 to i32
      %cond3A_155 = arith.constant 0 : i32
      %cond3A_156 = arith.cmpi ne, %convert_element_type3A_154, %cond3A_155 : i32
      scf.if %cond3A_156 {
        %dma_wait3A_186 = arith.constant 0 : i32
        %dma_wait3A_187 = arith.constant 0 : i32
        %dma_wait3A_188 = tpu.memref_slice %arg4[%add3A_138, %add3A_28, %dma_wait3A_187] : memref<50x32x16384xf32, #tpu.memory_space<hbm>> -> memref<1x1x16384xf32, #tpu.memory_space<hbm>>
        %dma_wait3A_189 = tpu.memref_squeeze %dma_wait3A_188 : memref<1x1x16384xf32, #tpu.memory_space<hbm>> -> memref<16384xf32, #tpu.memory_space<hbm>>
        %dma_wait3A_190 = tpu.memref_slice %arg13[%dma_wait3A_186] : memref<2x!tpu.dma_semaphore, #tpu.memory_space<semaphore_mem>> -> memref<1x!tpu.dma_semaphore, #tpu.memory_space<semaphore_mem>>
        %dma_wait3A_191 = tpu.memref_squeeze %dma_wait3A_190 : memref<1x!tpu.dma_semaphore, #tpu.memory_space<semaphore_mem>> -> memref<!tpu.dma_semaphore, #tpu.memory_space<semaphore_mem>>
        %dma_wait3A_192 = arith.constant 0 : i32
        %dma_wait3A_193 = tpu.memref_slice %arg4[%add3A_138, %add3A_28, %dma_wait3A_192] : memref<50x32x16384xf32, #tpu.memory_space<hbm>> -> memref<1x1x16384xf32, #tpu.memory_space<hbm>>
        %dma_wait3A_194 = tpu.memref_squeeze %dma_wait3A_193 : memref<1x1x16384xf32, #tpu.memory_space<hbm>> -> memref<16384xf32, #tpu.memory_space<hbm>>
        tpu.wait_dma2 semaphore(%dma_wait3A_191 : memref<!tpu.dma_semaphore, #tpu.memory_space<semaphore_mem>>) src(%arg7 : memref<16384xf32, #tpu.memory_space<vmem>>) dst(%dma_wait3A_194 : memref<16384xf32, #tpu.memory_space<hbm>>)
      } else {
      }
      %dma_start3A_157 = arith.constant 0 : i32
      %dma_start3A_158 = arith.constant 0 : i32
      %dma_start3A_159 = tpu.memref_slice %arg9[%dma_start3A_158] : memref<1000000xf32, #tpu.memory_space<vmem_shared>> -> memref<1000000xf32, #tpu.memory_space<vmem_shared>>
      %dma_start3A_160 = tpu.memref_slice %arg12[%dma_start3A_157] : memref<2x!tpu.dma_semaphore, #tpu.memory_space<semaphore_mem>> -> memref<1x!tpu.dma_semaphore, #tpu.memory_space<semaphore_mem>>
      %dma_start3A_161 = tpu.memref_squeeze %dma_start3A_160 : memref<1x!tpu.dma_semaphore, #tpu.memory_space<semaphore_mem>> -> memref<!tpu.dma_semaphore, #tpu.memory_space<semaphore_mem>>
      tpu.enqueue_indirect_dma source(%dma_start3A_159 : memref<1000000xf32, #tpu.memory_space<vmem_shared>>) target(%arg7 : memref<16384xf32, #tpu.memory_space<vmem>>) offsets(%arg5 : memref<16384xi32, #tpu.memory_space<vmem>>) semaphore(%dma_start3A_161 : memref<!tpu.dma_semaphore, #tpu.memory_space<semaphore_mem>>)
      %dma_wait3A_162 = arith.constant 0 : i32
      %dma_wait3A_163 = arith.constant 0 : i32
      %dma_wait3A_164 = tpu.memref_slice %arg9[%dma_wait3A_163] : memref<1000000xf32, #tpu.memory_space<vmem_shared>> -> memref<1000000xf32, #tpu.memory_space<vmem_shared>>
      %dma_wait3A_165 = tpu.memref_slice %arg12[%dma_wait3A_162] : memref<2x!tpu.dma_semaphore, #tpu.memory_space<semaphore_mem>> -> memref<1x!tpu.dma_semaphore, #tpu.memory_space<semaphore_mem>>
      %dma_wait3A_166 = tpu.memref_squeeze %dma_wait3A_165 : memref<1x!tpu.dma_semaphore, #tpu.memory_space<semaphore_mem>> -> memref<!tpu.dma_semaphore, #tpu.memory_space<semaphore_mem>>
      tpu.wait_indirect_dma semaphore(%dma_wait3A_166 : memref<!tpu.dma_semaphore, #tpu.memory_space<semaphore_mem>>) src(%dma_wait3A_164 : memref<1000000xf32, #tpu.memory_space<vmem_shared>>) dst(%arg7 : memref<16384xf32, #tpu.memory_space<vmem>>)
      %dma_start3A_167 = arith.constant 0 : i32
      %dma_start3A_168 = arith.constant 0 : i32
      %dma_start3A_169 = tpu.memref_slice %arg4[%add3A_138, %add3A_28, %dma_start3A_168] : memref<50x32x16384xf32, #tpu.memory_space<hbm>> -> memref<1x1x16384xf32, #tpu.memory_space<hbm>>
      %dma_start3A_170 = tpu.memref_squeeze %dma_start3A_169 : memref<1x1x16384xf32, #tpu.memory_space<hbm>> -> memref<16384xf32, #tpu.memory_space<hbm>>
      %dma_start3A_171 = tpu.memref_slice %arg13[%dma_start3A_167] : memref<2x!tpu.dma_semaphore, #tpu.memory_space<semaphore_mem>> -> memref<1x!tpu.dma_semaphore, #tpu.memory_space<semaphore_mem>>
      %dma_start3A_172 = tpu.memref_squeeze %dma_start3A_171 : memref<1x!tpu.dma_semaphore, #tpu.memory_space<semaphore_mem>> -> memref<!tpu.dma_semaphore, #tpu.memory_space<semaphore_mem>>
      %dma_start3A_173 = arith.constant 0 : i32
      %dma_start3A_174 = tpu.memref_slice %arg4[%add3A_138, %add3A_28, %dma_start3A_173] : memref<50x32x16384xf32, #tpu.memory_space<hbm>> -> memref<1x1x16384xf32, #tpu.memory_space<hbm>>
      %dma_start3A_175 = tpu.memref_squeeze %dma_start3A_174 : memref<1x1x16384xf32, #tpu.memory_space<hbm>> -> memref<16384xf32, #tpu.memory_space<hbm>>
      tpu.enqueue_dma source(%arg7 : memref<16384xf32, #tpu.memory_space<vmem>>) target(%dma_start3A_175 : memref<16384xf32, #tpu.memory_space<hbm>>) target_semaphore(%dma_start3A_172 : memref<!tpu.dma_semaphore, #tpu.memory_space<semaphore_mem>>)
      %add3A_176 = arith.constant 48 : i32
      %add3A_177 = arith.addi %arg1, %add3A_176 : i32
      %lt3A_178 = arith.constant 50 : i32
      %lt3A_179 = arith.cmpi slt, %add3A_177, %lt3A_178 : i32
      %add3A_180 = arith.constant 32 : i32
      %add3A_181 = arith.addi %add3A_177, %add3A_180 : i32
      %convert_element_type3A_182 = arith.extui %lt3A_179 : i1 to i32
      %cond3A_183 = arith.constant 0 : i32
      %cond3A_184 = arith.cmpi ne, %convert_element_type3A_182, %cond3A_183 : i32
      scf.if %cond3A_184 {
        %dma_wait3A_186 = arith.constant 1 : i32
        %dma_wait3A_187 = arith.constant 0 : i32
        %dma_wait3A_188 = tpu.memref_slice %arg2[%add3A_177, %dma_wait3A_187] : memref<50x16384xi32, #tpu.memory_space<hbm>> -> memref<1x16384xi32, #tpu.memory_space<hbm>>
        %dma_wait3A_189 = tpu.memref_squeeze %dma_wait3A_188 : memref<1x16384xi32, #tpu.memory_space<hbm>> -> memref<16384xi32, #tpu.memory_space<hbm>>
        %dma_wait3A_190 = tpu.memref_slice %arg11[%dma_wait3A_186] : memref<2x!tpu.dma_semaphore, #tpu.memory_space<semaphore_mem>> -> memref<1x!tpu.dma_semaphore, #tpu.memory_space<semaphore_mem>>
        %dma_wait3A_191 = tpu.memref_squeeze %dma_wait3A_190 : memref<1x!tpu.dma_semaphore, #tpu.memory_space<semaphore_mem>> -> memref<!tpu.dma_semaphore, #tpu.memory_space<semaphore_mem>>
        %dma_wait3A_192 = arith.constant 0 : i32
        %dma_wait3A_193 = tpu.memref_slice %arg2[%add3A_177, %dma_wait3A_192] : memref<50x16384xi32, #tpu.memory_space<hbm>> -> memref<1x16384xi32, #tpu.memory_space<hbm>>
        %dma_wait3A_194 = tpu.memref_squeeze %dma_wait3A_193 : memref<1x16384xi32, #tpu.memory_space<hbm>> -> memref<16384xi32, #tpu.memory_space<hbm>>
        tpu.wait_dma2 semaphore(%dma_wait3A_191 : memref<!tpu.dma_semaphore, #tpu.memory_space<semaphore_mem>>) src(%dma_wait3A_194 : memref<16384xi32, #tpu.memory_space<hbm>>) dst(%arg6 : memref<16384xi32, #tpu.memory_space<vmem>>)
        %gt3A_195 = arith.constant 0 : i32
        %gt3A_196 = arith.cmpi sgt, %add3A_27, %gt3A_195 : i32
        %or3A_197 = arith.constant true
        %or3A_198 = arith.ori %gt3A_196, %or3A_197 : i1
        %convert_element_type3A_199 = arith.extui %or3A_198 : i1 to i32
        %cond3A_200 = arith.constant 0 : i32
        %cond3A_201 = arith.cmpi ne, %convert_element_type3A_199, %cond3A_200 : i32
        scf.if %cond3A_201 {
          %dma_wait3A_221 = arith.constant 1 : i32
          %dma_wait3A_222 = arith.constant 0 : i32
          %dma_wait3A_223 = tpu.memref_slice %arg4[%add3A_177, %add3A_28, %dma_wait3A_222] : memref<50x32x16384xf32, #tpu.memory_space<hbm>> -> memref<1x1x16384xf32, #tpu.memory_space<hbm>>
          %dma_wait3A_224 = tpu.memref_squeeze %dma_wait3A_223 : memref<1x1x16384xf32, #tpu.memory_space<hbm>> -> memref<16384xf32, #tpu.memory_space<hbm>>
          %dma_wait3A_225 = tpu.memref_slice %arg13[%dma_wait3A_221] : memref<2x!tpu.dma_semaphore, #tpu.memory_space<semaphore_mem>> -> memref<1x!tpu.dma_semaphore, #tpu.memory_space<semaphore_mem>>
          %dma_wait3A_226 = tpu.memref_squeeze %dma_wait3A_225 : memref<1x!tpu.dma_semaphore, #tpu.memory_space<semaphore_mem>> -> memref<!tpu.dma_semaphore, #tpu.memory_space<semaphore_mem>>
          %dma_wait3A_227 = arith.constant 0 : i32
          %dma_wait3A_228 = tpu.memref_slice %arg4[%add3A_177, %add3A_28, %dma_wait3A_227] : memref<50x32x16384xf32, #tpu.memory_space<hbm>> -> memref<1x1x16384xf32, #tpu.memory_space<hbm>>
          %dma_wait3A_229 = tpu.memref_squeeze %dma_wait3A_228 : memref<1x1x16384xf32, #tpu.memory_space<hbm>> -> memref<16384xf32, #tpu.memory_space<hbm>>
          tpu.wait_dma2 semaphore(%dma_wait3A_226 : memref<!tpu.dma_semaphore, #tpu.memory_space<semaphore_mem>>) src(%arg8 : memref<16384xf32, #tpu.memory_space<vmem>>) dst(%dma_wait3A_229 : memref<16384xf32, #tpu.memory_space<hbm>>)
        } else {
        }
        %dma_start3A_202 = arith.constant 1 : i32
        %dma_start3A_203 = arith.constant 0 : i32
        %dma_start3A_204 = tpu.memref_slice %arg9[%dma_start3A_203] : memref<1000000xf32, #tpu.memory_space<vmem_shared>> -> memref<1000000xf32, #tpu.memory_space<vmem_shared>>
        %dma_start3A_205 = tpu.memref_slice %arg12[%dma_start3A_202] : memref<2x!tpu.dma_semaphore, #tpu.memory_space<semaphore_mem>> -> memref<1x!tpu.dma_semaphore, #tpu.memory_space<semaphore_mem>>
        %dma_start3A_206 = tpu.memref_squeeze %dma_start3A_205 : memref<1x!tpu.dma_semaphore, #tpu.memory_space<semaphore_mem>> -> memref<!tpu.dma_semaphore, #tpu.memory_space<semaphore_mem>>
        tpu.enqueue_indirect_dma source(%dma_start3A_204 : memref<1000000xf32, #tpu.memory_space<vmem_shared>>) target(%arg8 : memref<16384xf32, #tpu.memory_space<vmem>>) offsets(%arg6 : memref<16384xi32, #tpu.memory_space<vmem>>) semaphore(%dma_start3A_206 : memref<!tpu.dma_semaphore, #tpu.memory_space<semaphore_mem>>)
        %dma_wait3A_207 = arith.constant 1 : i32
        %dma_wait3A_208 = arith.constant 0 : i32
        %dma_wait3A_209 = tpu.memref_slice %arg9[%dma_wait3A_208] : memref<1000000xf32, #tpu.memory_space<vmem_shared>> -> memref<1000000xf32, #tpu.memory_space<vmem_shared>>
        %dma_wait3A_210 = tpu.memref_slice %arg12[%dma_wait3A_207] : memref<2x!tpu.dma_semaphore, #tpu.memory_space<semaphore_mem>> -> memref<1x!tpu.dma_semaphore, #tpu.memory_space<semaphore_mem>>
        %dma_wait3A_211 = tpu.memref_squeeze %dma_wait3A_210 : memref<1x!tpu.dma_semaphore, #tpu.memory_space<semaphore_mem>> -> memref<!tpu.dma_semaphore, #tpu.memory_space<semaphore_mem>>
        tpu.wait_indirect_dma semaphore(%dma_wait3A_211 : memref<!tpu.dma_semaphore, #tpu.memory_space<semaphore_mem>>) src(%dma_wait3A_209 : memref<1000000xf32, #tpu.memory_space<vmem_shared>>) dst(%arg8 : memref<16384xf32, #tpu.memory_space<vmem>>)
        %dma_start3A_212 = arith.constant 1 : i32
        %dma_start3A_213 = arith.constant 0 : i32
        %dma_start3A_214 = tpu.memref_slice %arg4[%add3A_177, %add3A_28, %dma_start3A_213] : memref<50x32x16384xf32, #tpu.memory_space<hbm>> -> memref<1x1x16384xf32, #tpu.memory_space<hbm>>
        %dma_start3A_215 = tpu.memref_squeeze %dma_start3A_214 : memref<1x1x16384xf32, #tpu.memory_space<hbm>> -> memref<16384xf32, #tpu.memory_space<hbm>>
        %dma_start3A_216 = tpu.memref_slice %arg13[%dma_start3A_212] : memref<2x!tpu.dma_semaphore, #tpu.memory_space<semaphore_mem>> -> memref<1x!tpu.dma_semaphore, #tpu.memory_space<semaphore_mem>>
        %dma_start3A_217 = tpu.memref_squeeze %dma_start3A_216 : memref<1x!tpu.dma_semaphore, #tpu.memory_space<semaphore_mem>> -> memref<!tpu.dma_semaphore, #tpu.memory_space<semaphore_mem>>
        %dma_start3A_218 = arith.constant 0 : i32
        %dma_start3A_219 = tpu.memref_slice %arg4[%add3A_177, %add3A_28, %dma_start3A_218] : memref<50x32x16384xf32, #tpu.memory_space<hbm>> -> memref<1x1x16384xf32, #tpu.memory_space<hbm>>
        %dma_start3A_220 = tpu.memref_squeeze %dma_start3A_219 : memref<1x1x16384xf32, #tpu.memory_space<hbm>> -> memref<16384xf32, #tpu.memory_space<hbm>>
        tpu.enqueue_dma source(%arg8 : memref<16384xf32, #tpu.memory_space<vmem>>) target(%dma_start3A_220 : memref<16384xf32, #tpu.memory_space<hbm>>) target_semaphore(%dma_start3A_217 : memref<!tpu.dma_semaphore, #tpu.memory_space<semaphore_mem>>)
      } else {
      }
      %barrier3A_185 = arith.constant 0 : index
      tpu.barrier barrier_id(%barrier3A_185)
    }
    %scan3A_4 = arith.constant 16 : i32
    %dma_wait3A = arith.constant 0 : i32
    %dma_wait3A_5 = arith.constant 0 : i32
    %dma_wait3A_6 = arith.constant 0 : i32
    %dma_wait3A_7 = tpu.memref_slice %arg4[%dma_wait3A, %mul3A_0, %dma_wait3A_6] : memref<50x32x16384xf32, #tpu.memory_space<hbm>> -> memref<1x1x16384xf32, #tpu.memory_space<hbm>>
    %dma_wait3A_8 = tpu.memref_squeeze %dma_wait3A_7 : memref<1x1x16384xf32, #tpu.memory_space<hbm>> -> memref<16384xf32, #tpu.memory_space<hbm>>
    %dma_wait3A_9 = tpu.memref_slice %arg13[%dma_wait3A_5] : memref<2x!tpu.dma_semaphore, #tpu.memory_space<semaphore_mem>> -> memref<1x!tpu.dma_semaphore, #tpu.memory_space<semaphore_mem>>
    %dma_wait3A_10 = tpu.memref_squeeze %dma_wait3A_9 : memref<1x!tpu.dma_semaphore, #tpu.memory_space<semaphore_mem>> -> memref<!tpu.dma_semaphore, #tpu.memory_space<semaphore_mem>>
    %dma_wait3A_11 = arith.constant 0 : i32
    %dma_wait3A_12 = tpu.memref_slice %arg4[%dma_wait3A, %mul3A_0, %dma_wait3A_11] : memref<50x32x16384xf32, #tpu.memory_space<hbm>> -> memref<1x1x16384xf32, #tpu.memory_space<hbm>>
    %dma_wait3A_13 = tpu.memref_squeeze %dma_wait3A_12 : memref<1x1x16384xf32, #tpu.memory_space<hbm>> -> memref<16384xf32, #tpu.memory_space<hbm>>
    tpu.wait_dma2 semaphore(%dma_wait3A_10 : memref<!tpu.dma_semaphore, #tpu.memory_space<semaphore_mem>>) src(%arg7 : memref<16384xf32, #tpu.memory_space<vmem>>) dst(%dma_wait3A_13 : memref<16384xf32, #tpu.memory_space<hbm>>)
    %dma_wait3A_14 = arith.constant 0 : i32
    %dma_wait3A_15 = arith.constant 1 : i32
    %dma_wait3A_16 = arith.constant 0 : i32
    %dma_wait3A_17 = tpu.memref_slice %arg4[%dma_wait3A_14, %mul3A_0, %dma_wait3A_16] : memref<50x32x16384xf32, #tpu.memory_space<hbm>> -> memref<1x1x16384xf32, #tpu.memory_space<hbm>>
    %dma_wait3A_18 = tpu.memref_squeeze %dma_wait3A_17 : memref<1x1x16384xf32, #tpu.memory_space<hbm>> -> memref<16384xf32, #tpu.memory_space<hbm>>
    %dma_wait3A_19 = tpu.memref_slice %arg13[%dma_wait3A_15] : memref<2x!tpu.dma_semaphore, #tpu.memory_space<semaphore_mem>> -> memref<1x!tpu.dma_semaphore, #tpu.memory_space<semaphore_mem>>
    %dma_wait3A_20 = tpu.memref_squeeze %dma_wait3A_19 : memref<1x!tpu.dma_semaphore, #tpu.memory_space<semaphore_mem>> -> memref<!tpu.dma_semaphore, #tpu.memory_space<semaphore_mem>>
    %dma_wait3A_21 = arith.constant 0 : i32
    %dma_wait3A_22 = tpu.memref_slice %arg4[%dma_wait3A_14, %mul3A_0, %dma_wait3A_21] : memref<50x32x16384xf32, #tpu.memory_space<hbm>> -> memref<1x1x16384xf32, #tpu.memory_space<hbm>>
    %dma_wait3A_23 = tpu.memref_squeeze %dma_wait3A_22 : memref<1x1x16384xf32, #tpu.memory_space<hbm>> -> memref<16384xf32, #tpu.memory_space<hbm>>
    tpu.wait_dma2 semaphore(%dma_wait3A_20 : memref<!tpu.dma_semaphore, #tpu.memory_space<semaphore_mem>>) src(%arg8 : memref<16384xf32, #tpu.memory_space<vmem>>) dst(%dma_wait3A_23 : memref<16384xf32, #tpu.memory_space<hbm>>)
    return
  }
}

</mosaic_0001>

<sc_bundles>
// kernel: _embed_t.3.cloned.1.call-start
scs
__scs_entry_jumppad:
0x0: {  	(pc) =	sbr.rel $0x88, $3  }
0x1: {  	(tag) =	ssettag $0x0;
	lr =	simm.s32 $0x1  }
0x2: {  	[smem:$0x3F9F] =	sst lr;
	_ =	strace $0xD0000000  }
0x3: {  	_ = 	snop  }
0x4: {  	_ = 	snop  }
0x5: {  	_ = 	snop  }
0x6: {  	_ = 	snop  }
0x7: {  	_ = 	snop  }
__scs_overlays_trampoline_lowered:
0x8: {  	[smem:$0x3FAE] =	sst s0  }
0x9: {  	[smem:$0x3FAF] =	sst s1  }
0xa: {  	[smem:$0x3FB0] =	sst s2  }
0xb: {  	[smem:$0x3FB1] =	sst s3  }
0xc: {  	[smem:$0x3FB2] =	sst s4  }
0xd: {  	[smem:$0x3FB3] =	sst s5  }
0xe: {  	[smem:$0x3FB4] =	sst s6  }
0xf: {  	[smem:$0x3FB5] =	sst s7  }
0x10: {  	[smem:$0x3FB6] =	sst s8  }
0x11: {  	[smem:$0x3FB7] =	sst s9;
	s0 =	simm.s32 @!p0 $0x0  }
0x12: {  	s1 =	sld [smem:$0x3F9D];
	s0 =	simm.s32 @p0 $0x1  }
0x13: {  	[smem:$0x3FB8] =	sst s0;
	s0 =	simm.s32 @!p1 $0x0  }
0x14: {  	s2 =	sld [smem:$0x3F9C];
	s0 =	simm.s32 @p1 $0x1  }
0x15: {  	[smem:$0x3FB9] =	sst s0;
	s0 =	simm.s32 @!p2 $0x0  }
0x16: {  	s3 =	sld [smem:$0x3FDB];
	s0 =	simm.s32 @p2 $0x1  }
0x17: {  	s4 =	simm.s32 $0x1BF5;
	[smem:$0x3FBB] =	sst s0  }
0x18: {  	s0 =	sld [smem:$0x3F9E];
	_ =	swait.ge [sflag:s4], $0x0  }
0x19: {  	s7 =	sld [smem:$0x3F9F]  }
0x1a: {  	s8 =	sadd.s32 $0xFFFFE003, lr  }
0x1b: {  	s9 =	sadd.s32 $0xFFFFFEF7, lr;
	s5 =	simm.s32 $0xFFFFFFFF;
	p2 =	slt.u32 s8, $0xFFFFF086  }
0x1c: {  	p1 =	slt.u32 s9, $0xF7A;
	s5 =	simm.s32 @!p2 $0x0  }
0x1d: {  	s5 =	simm.s32 @p1 $0x1;
	p0 =	seq.s32 s7, s2  }
0x1e: {  	s7 =	smul.u32 @!p0 $0xF7A, s2;
	p2 =	seq.s32 @!p0 s5, $0x0  }
0x1f: {  	s9 =	smul.u32 $0xF7A, s1;
	s8 =	simm.s32 @!p0 $0x1BF5;
	p2 =	por !p2, p0  }
0x20: {  	[sflag:s8] =	ssyncset.s32 @!p0 $0xFFFFF086;
	s6 =	sadd.s32 @!p0 s3, s7;
	s7 =	simm.s32 @!p0 $0x108  }
0x21: {  	s3 =	sadd.s32 s3, s9;
	s6 =	sadd.s32 @!p0 $0x88, s6;
	s7 =	simm.s32 @p2 $0x1082  }
0x22: {  	[simem:s7], [sflag:s8] =	dma.local @!p0 [hbm:s6], $0xF7A  }
0x23: {  	s9 =	sor.u32 $0xD0000000, s2;
	s6 =	simm.s32 $0x108;
	_ =	swait.ge @!p0 [sflag:s8], $0x0  }
0x24: {  	s3 =	sadd.s32 $0x88, s3;
	s6 =	simm.s32 @!p1 $0x1082;
	[sflag:s4] =	ssyncset.s32 $0xFFFFF086  }
0x25: {  	[simem:s6], [sflag:s4] =	dma.local [hbm:s3], $0xF7A  }
0x26: {  	[smem:$0x3F9F] =	sst s1;
	(tag) =	ssettag s2;
	_ =	strace s9  }
0x27: {  	s1 =	sld [smem:$0x3FAF]  }
0x28: {  	s2 =	sld [smem:$0x3FB0]  }
0x29: {  	s4 =	sld [smem:$0x3FB2]  }
0x2a: {  	p0 =	seq.s32 s5, $0x0;
	s5 =	sld [smem:$0x3FB3]  }
0x2b: {  	s6 =	sld [smem:$0x3FB4]  }
0x2c: {  	s7 =	sld [smem:$0x3FB5]  }
0x2d: {  	s3 =	simm.s32 $0x108;
	s8 =	sld [smem:$0x3FB6]  }
0x2e: {  	s3 =	simm.s32 @!p0 $0x1082;
	s9 =	sld [smem:$0x3FB7]  }
0x2f: {  	lr =	sadd.s32 s0, s3;
	s0 =	sld [smem:$0x3FAE]  }
0x30: {  	s3 =	sld [smem:$0x3FB1]  }
0x31: {  	[smem:$0x3FBA] =	sst s10  }
0x32: {  	s10 =	sld [smem:$0x3FB8];
	_ =	sdelay $0x3  }
0x33: {  	p0 =	seq.s32 s10, $0x1;
	s10 =	sld [smem:$0x3FBA];
	_ =	sdelay $0x3  }
0x34: {  	[smem:$0x3FBA] =	sst s10  }
0x35: {  	s10 =	sld [smem:$0x3FB9];
	_ =	sdelay $0x3  }
0x36: {  	p1 =	seq.s32 s10, $0x1;
	s10 =	sld [smem:$0x3FBA];
	_ =	sdelay $0x3  }
0x37: {  	[smem:$0x3FBA] =	sst s10  }
0x38: {  	s10 =	sld [smem:$0x3FBB]  }
0x39: {  	_ = 	snop;
	(pc) =	sbr.ind lr, $3  }
0x3a: {  	_ = 	snop  }
0x3b: {  	_ = 	snop  }
0x3c: {  	p2 =	seq.s32 s10, $0x1;
	s10 =	sld [smem:$0x3FBA]  }
0x3d: {  	_ =	shalt  }
0x3e: {  	_ =	shalt  }
0x3f: {  	_ =	shalt  }
0x40: {  	_ =	shalt  }
0x41: {  	_ =	shalt  }
0x42: {  	_ =	shalt  }
0x43: {  	_ =	shalt  }
0x44: {  	_ =	shalt  }
0x45: {  	_ =	shalt  }
0x46: {  	_ =	shalt  }
0x47: {  	_ =	shalt  }
0x48: {  	_ =	shalt  }
0x49: {  	_ =	shalt  }
0x4a: {  	_ =	shalt  }
0x4b: {  	_ =	shalt  }
0x4c: {  	_ =	shalt  }
0x4d: {  	_ =	shalt  }
0x4e: {  	_ =	shalt  }
0x4f: {  	_ =	shalt  }
0x50: {  	_ =	shalt  }
0x51: {  	_ =	shalt  }
0x52: {  	_ =	shalt  }
0x53: {  	_ =	shalt  }
0x54: {  	_ =	shalt  }
0x55: {  	_ =	shalt  }
0x56: {  	_ =	shalt  }
0x57: {  	_ =	shalt  }
0x58: {  	_ =	shalt  }
0x59: {  	_ =	shalt  }
0x5a: {  	_ =	shalt  }
0x5b: {  	_ =	shalt  }
0x5c: {  	_ =	shalt  }
0x5d: {  	_ =	shalt  }
0x5e: {  	_ =	shalt  }
0x5f: {  	_ =	shalt  }
0x60: {  	_ =	shalt  }
0x61: {  	_ =	shalt  }
0x62: {  	_ =	shalt  }
0x63: {  	_ =	shalt  }
0x64: {  	_ =	shalt  }
0x65: {  	_ =	shalt  }
0x66: {  	_ =	shalt  }
0x67: {  	_ =	shalt  }
0x68: {  	_ =	shalt  }
0x69: {  	_ =	shalt  }
0x6a: {  	_ =	shalt  }
0x6b: {  	_ =	shalt  }
0x6c: {  	_ =	shalt  }
0x6d: {  	_ =	shalt  }
0x6e: {  	_ =	shalt  }
0x6f: {  	_ =	shalt  }
0x70: {  	_ =	shalt  }
0x71: {  	_ =	shalt  }
0x72: {  	_ =	shalt  }
0x73: {  	_ =	shalt  }
0x74: {  	_ =	shalt  }
0x75: {  	_ =	shalt  }
0x76: {  	_ =	shalt  }
0x77: {  	_ =	shalt  }
0x78: {  	_ =	shalt  }
0x79: {  	_ =	shalt  }
0x7a: {  	_ =	shalt  }
0x7b: {  	_ =	shalt  }
0x7c: {  	_ =	shalt  }
0x7d: {  	_ =	shalt  }
0x7e: {  	_ =	shalt  }
0x7f: {  	_ =	shalt  }
0x80: {  	_ =	shalt  }
0x81: {  	_ =	shalt  }
0x82: {  	_ =	shalt  }
0x83: {  	_ =	shalt  }
0x84: {  	_ =	shalt  }
0x85: {  	_ =	shalt  }
0x86: {  	_ =	shalt  }
0x87: {  	_ =	shalt  }
.Lfunc_end0:
.L_simem_size_0:
called_computation_lowered:
.L_overlay_start_0:
0x88: {  	s2 =	sld [smem:$0x3FD9]  }
0x89: {  	s3 =	sld [smem:$0x3FFE];
	_ =	sdelay $0x1  }
0x8a: {  	s1 =	srdreg.scid  }
0x8b: {  	s0 =	sand.u32 $0x1, s1  }
0x8c: {  	s18 =	sshll.u32 s0, $0xA;
	s2 =	sadd.s32 s3, s2  }
0x8d: {  	s2 =	sadd.s32 s2, s18  }
0x8e: {  	[smem:$0x3FC6] =	sst s2  }
0x8f: {  	_ = 	snop  }
0x90: {  	s2 =	sld [smem:$0x3FC9]  }
0x91: {  	s19 =	sld [smem:$0x3FC8]  }
0x92: {  	s4 =	sld [smem:$0x3FD0];
	(tm) =	ssettm $0x1  }
0x93: {  	s5 =	sld [smem:$0x3FFB];
	_ =	sdelay $0x3  }
0x94: {  	_ =	strace s5  }
0x95: {  	s5 =	sld [smem:$0x3FFC];
	_ =	sdelay $0x3  }
0x96: {  	_ =	strace s5  }
0x97: {  	s5 =	sld [smem:$0x3FFD];
	_ =	sdelay $0x3  }
0x98: {  	_ =	strace s5  }
0x99: {  	_ =	strace $0x8FFFFFFF  }
0x9a: {  	s20 =	sld [smem:$0x3FDB];
	_ =	sdelay $0x1  }
0x9b: {  	s6 =	simm.s32 $_scs_section_size  }
0x9c: {  	s7 =	simm.s32 $_size__tile_overlayer_lowered;
	s8 =	simm.s32 $_tile_overlayer_lowered  }
0x9d: {  	s23 =	simm.s32 $0x1BFF;
	s22 =	sshll.u32 s8, $0x1;
	s5 =	sadd.s32 s6, s20  }
0x9e: {  	s9 =	simm.s32 $0x0;
	s21 =	sshll.u32 s7, $0x1;
	s7 =	sadd.s32 s22, s5  }
0x9f: {  	[timem:s9], [sflag:s23] =	dma.local [hbm:s7], s21  }
0xa0: {  	_ =	swait.ge [sflag:s23], s21  }
0xa1: {  	s6 =	ssub.s32 $0x0, s21;
	[sflag:s23] =	ssyncset.done $0x0  }
0xa2: {  	[sflag:s23] =	ssyncadd.s32 s6;
	_ =	sdelay $0x1  }
0xa3: {  	s24 =	simm.s32 $0x1B8B  }
0xa4: {  	_ =	swait.ge [sflag:s24], $0x1  }
0xa5: {  	[sflag:s24] =	ssyncset.done $0x0  }
0xa6: {  	s25 =	simm.s32 $0x1B8E;
	[sflag:s24] =	ssyncadd.s32 $0xFFFFFFFF  }
0xa7: {  	s26 =	simm.s32 $execute0_lowered;
	[smem:$0x3FD2] =	sst s25  }
0xa8: {  	s6 =	sshll.u32 s26, $0x1;
	_ =	strace $0x80000046;
	[dreg:$0x1] =	wrdreg $0xFFFFFFFF  }
0xa9: {  	s28 =	simm.s32 $_size_execute0_lowered;
	s5 =	sadd.s32 s5, s6;
	[dreg:$0x0] =	wrdreg $0x0  }
0xaa: {  	s6 =	sshll.u32 s28, $0x1;
	[dreg:$0x2] =	wrdreg s5  }
0xab: {  	[dreg:$0x3] =	wrdreg s6  }
0xac: {  	[dreg:$0x4] =	wrdreg $0xC0  }
0xad: {  	_ =	task [dreg:s9], $0x5FFFF  }
0xae: {  	[dreg:$0x1] =	wrdreg $0xFFFFFFFF  }
0xaf: {  	[dreg:$0x0] =	wrdreg $0x60  }
0xb0: {  	[dreg:$0x2] =	wrdreg s2  }
0xb1: {  	[dreg:$0x3] =	wrdreg s19  }
0xb2: {  	[dreg:$0x4] =	wrdreg s4  }
0xb3: {  	[dreg:$0x5] =	wrdreg $0x100000  }
0xb4: {  	[dreg:$0x6] =	wrdreg $0x9  }
0xb5: {  	_ =	task.clear_ibuf [dreg:s9], $0x7FFFF;
	_ =	strace $0x90000046  }
0xb6: {  	s29 =	simm.s32 $0x9;
	_ =	strace $0x80000048  }
0xb7: {  	_ =	swait.ge [sflag:s29], $0x1  }
0xb8: {  	[sflag:s29] =	ssyncadd.s32 $0xFFFFFFFF  }
0xb9: {  	_ =	strace $0x90000048  }
0xba: {  	_ =	sfence  }
0xbb: {  	s30 =	sld [smem:$0x0];
	_ =	sdelay $0x2  }
0xbc: {  	s31 =	sshll.u32 s1, $0xD;
	s1 =	sshrl.u32 s1, $0x2  }
0xbd: {  	s3 =	sand.u32 $0x4000, s31;
	s1 =	sadd.s32 s1, s30  }
0xbe: {  	s0 =	sor.u32 s3, s0;
	s1 =	sshll.u32 s1, $0x11  }
0xbf: {  	s0 =	sor.u32 s1, s0  }
0xc0: {  	s0 =	sadd.s32 $0x8F2B, s0  }
0xc1: {  	[sflag:s0] =	ssyncadd.remote.s32 $0x1  }
0xc2: {  	_ =	sfence.sel $0xFFFF  }
0xc3: {  	[dreg:$0x0] =	wrdreg $0xFFFFFFFF;
	(pc) =	sbr.abs _section_cstart, $3  }
0xc4: {  	[dreg:$0x1] =	wrdreg $0xFFFFFFFF  }
0xc5: {  	_ =	task.clear_ibuf [dreg:s9], $0x2FFFF;
	_ =	strace $0x9FFFFFFF  }
0xc6: {  	(tm) =	ssettm $0x7FFFFFFF  }
0xc7: {  	_ =	shalt  }
tec
execute0_lowered:
.L_overlay_start_1:
0x0: {  	(tag) =	ssettag $0x1  }
0x1: {  	s0 =	rddreg [dreg:$0x0]  }
0x2: {  	s1 =	rddreg [dreg:$0x1]  }
0x3: {  	s2 =	rddreg [dreg:$0x3]  }
0x4: {  	s3 =	simm.s32 $0x0;
	s4 =	stileid.u32;
	s9 =	srdreg.scid  }
0x5: {  	s10 =	simm.s32 $0x2;
	s11 =	simm.s32 $0x8000;
	[dreg:$0x5] =	wrdreg s1  }
0x6: {  	s12 =	simm.s32 $0x4;
	s13 =	simm.s32 $0x3;
	s1 =	rddreg [dreg:$0x2]  }
0x7: {  	s15 =	simm.s32 $0x5;
	s16 =	simm.s32 $0x6;
	[smem:$0x7FF] =	sst s3  }
0x8: {  	s5 =	sshll.u32 s4, $0x4;
	s6 =	sshll.u32 s4, $0xB;
	s7 =	sor.u32 $0x10, s4  }
0x9: {  	s8 =	sor.u32 $0x20, s4;
	s20 =	sshll.u32 s4, $0x13;
	s22 =	sand.u32 $0x1, s9  }
0xa: {  	s14 =	sor.u32 $0x30, s4;
	p0 =	sne.s32 s4, $0x0;
	s9 =	simm.s32 $0x4000  }
0xb: {  	_ =	strace $0x80000047;
	s5 =	sand.u32 $0x70, s5;
	s6 =	sand.u32 $0x4000, s6  }
0xc: {  	s18 =	sshll.u32 s7, $0xB;
	[dreg:$0x8] =	wrdreg s20;
	s23 =	sshll.u32 s7, $0x13  }
0xd: {  	s19 =	sshll.u32 s8, $0xB;
	s25 =	sshll.u32 s8, $0x13;
	[dreg:$0xa] =	wrdreg s23  }
0xe: {  	s24 =	ssub.s32 $0x2, s22;
	s29 =	sshll.u32 s22, $0x4;
	[dreg:$0xc] =	wrdreg s25  }
0xf: {  	s28 =	sshll.u32 s14, $0x13;
	s31 =	sshll.u32 s22, $0x12;
	[dreg:$0xf] =	wrdreg s29  }
0x10: {  	s7 =	simm.s32 $0x80;
	s0 =	sadd.s32 s0, s5;
	[dreg:$0xd] =	wrdreg s28  }
0x11: {  	s5 =	sand.u32 $0xC000, s18;
	[dreg:$0x11] =	wrdreg s31;
	s6 =	sadd.s32 s6, s0  }
0x12: {  	s5 =	sadd.s32 s5, s0;
	[dreg:$0x6] =	wrdreg s6;
	s6 =	sand.u32 $0x14000, s19  }
0x13: {  	s26 =	sshrl.u32 s24, $0x1;
	[dreg:$0x7] =	wrdreg s5;
	s21 =	sadd.s32 s6, s0  }
0x14: {  	s5 =	ssub.s32 s24, s26;
	s0 =	sadd.s32 $0x18000, s0;
	[dreg:$0x9] =	wrdreg s21  }
0x15: {  	s8 =	simm.s32 $0x400;
	s30 =	smax.u32 s5, $0x1;
	[dreg:$0xb] =	wrdreg s0  }
0x16: {  	p1 =	sgt.u32 s14, $0x31;
	[dreg:$0x10] =	wrdreg s30;
	s0 =	sshrl.u32 @!p0 s2, $0x3  }
0x17: {  	s14 =	simm.s32 $0xC000;
	s5 =	simm.s32 $0x0;
	[dreg:$0xe] =	wrdreg s0  }
.LBB2_1:
0x18: {  	[dreg:$0x12] =	wrdreg s5  }
0x19: {  	s5 =	rddreg [dreg:$0xf]  }
0x1a: {  	s4 =	rddreg [dreg:$0x6];
	s0 =	sshrl.u32 @!p0 s5, $0x3  }
0x1b: {  	[tilespmem:s3], [sflag:$0x2] =	stream.strided.gather [hbm4b:s4+s7], $0x4000, s8, s7, $0x38;
	[tilespmem:$0x1F428] =	vst v63  }
0x1c: {  	s6 =	sand.u32 @!p0 $0x380, s3;
	s23 =	rddreg [dreg:$0x7];
	s0 =	smul.u32 @!p0 $0x7A1400, s0  }
0x1d: {  	[tilespmem:s9], [sflag:$0x3] =	stream.strided.gather [hbm4b:s23+s7], $0x4000, s8, s7, $0x38;
	[tilespmem:$0x1F428] =	vst v63  }
0x1e: {  	s17 =	rddreg [dreg:$0x5];
	s18 =	simm.s32 @!p0 $0x80;
	s0 =	sor.u32 @!p0 s6, s0  }
0x1f: {  	s21 =	simm.s32 @!p0 $0x1;
	s4 =	rddreg [dreg:$0xe];
	s0 =	sshrl.u32 @!p0 s0, $0x3  }
0x20: {  	s6 =	simm.s32 @!p0 $0x1C01;
	s0 =	sadd.s32 @!p0 s17, s0;
	s17 =	simm.s32 @!p0 $0x10  }
0x21: {  	[spmem:s4@s17], [sflag:s6] =	dma.strided @!p0 [hbm:s0@s18], $0x1E850, s21, $0x10   }
0x22: {  	_ =	swait.ge @!p0 [sflag:s21], $0x1E850  }
0x23: {  	[sflag:s21] =	ssyncset.done @!p0 $0x0  }
0x24: {  	[sflag:s21] =	ssyncadd.s32 @!p0 $0xFFFE17B0  }
0x25: {  	[bflag:$0x0] =	sbarrier.arrive $0xFFFF  }
0x26: {  	_ =	swait.ge [sflag:s10], $0x4000  }
0x27: {  	p2 =	por $0x1, $0x1;
	[sflag:s10] =	ssyncset.done $0x0  }
0x28: {  	s0 =	simm.s32 @!p2 $0x6;
	[sflag:s10] =	ssyncadd.s32 $0xFFFFC000  }
0x29: {  	_ =	swait.ge @!p2 [sflag:s0], $0x4000  }
0x2a: {  	[sflag:s0] =	ssyncset.done @!p2 $0x0  }
0x2b: {  	[sflag:s0] =	ssyncadd.s32 @!p2 $0xFFFFC000  }
0x2c: {  	[tilespmem:s11], [sflag:$0x4] =	stream.indirect.gather [spmem:s2], $0x1, s3, s9, $0xb8;
	[tilespmem:$0x1F428] =	vst v63  }
0x2d: {  	_ =	swait.ge [sflag:s12], $0x4000  }
0x2e: {  	s20 =	rddreg [dreg:$0x11]  }
0x2f: {  	s19 =	rddreg [dreg:$0x8];
	s4 =	sand.u32 $0x60000, s20  }
0x30: {  	s6 =	sand.u32 $0x380, s3;
	s0 =	sor.u32 s19, s4  }
0x31: {  	s0 =	sor.u32 s6, s0  }
0x32: {  	[sflag:s12] =	ssyncset.done $0x0;
	s0 =	sshrl.u32 s0, $0x3  }
0x33: {  	[sflag:s12] =	ssyncadd.s32 $0xFFFFC000;
	s0 =	sadd.s32 s1, s0  }
0x34: {  	[hbm4b:s0+s7] =	stream.strided.scatter [tilespmem:s11], [sflag:$0x6], $0x4000, s8, s7, $0x38;
	[tilespmem:$0x1F428] =	vst v63  }
0x35: {  	s24 =	rddreg [dreg:$0x9]  }
0x36: {  	[tilespmem:s3], [sflag:$0x2] =	stream.strided.gather [hbm4b:s24+s7], $0x4000, s8, s7, $0x38;
	[tilespmem:$0x1F428] =	vst v63  }
0x37: {  	_ =	swait.ge [sflag:s13], $0x4000  }
0x38: {  	[sflag:s13] =	ssyncset.done $0x0  }
0x39: {  	s0 =	simm.s32 @!p2 $0x7;
	[sflag:s13] =	ssyncadd.s32 $0xFFFFC000  }
0x3a: {  	_ =	swait.ge @!p2 [sflag:s0], $0x4000  }
0x3b: {  	[sflag:s0] =	ssyncset.done @!p2 $0x0  }
0x3c: {  	[sflag:s0] =	ssyncadd.s32 @!p2 $0xFFFFC000  }
0x3d: {  	[tilespmem:s14], [sflag:$0x5] =	stream.indirect.gather [spmem:s2], $0x1, s9, s9, $0xb8;
	[tilespmem:$0x1F428] =	vst v63  }
0x3e: {  	_ =	swait.ge [sflag:s15], $0x4000  }
0x3f: {  	s25 =	rddreg [dreg:$0xa]  }
0x40: {  	s0 =	sor.u32 s25, s4  }
0x41: {  	s0 =	sor.u32 s6, s0  }
0x42: {  	[sflag:s15] =	ssyncset.done $0x0;
	s0 =	sshrl.u32 s0, $0x3  }
0x43: {  	s23 =	simm.s32 @!p1 $0x80;
	[sflag:s15] =	ssyncadd.s32 $0xFFFFC000;
	s0 =	sadd.s32 s1, s0  }
0x44: {  	[hbm4b:s0+s7] =	stream.strided.scatter [tilespmem:s14], [sflag:$0x7], $0x4000, s8, s7, $0x38;
	[tilespmem:$0x1F428] =	vst v63  }
0x45: {  	s24 =	simm.s32 @!p1 $0x400;
	s17 =	rddreg [dreg:$0xb];
	s25 =	simm.s32 @!p1 $0x4000  }
0x46: {  	[tilespmem:s25], [sflag:$0x3] =	stream.strided.gather @!p1 [hbm4b:s17+s23], $0x4000, s24, s23, $0x38;
	[tilespmem:$0x1F428] =	vst v63  }
0x47: {  	_ =	swait.ge [sflag:s10], $0x4000  }
0x48: {  	[sflag:s10] =	ssyncset.done $0x0  }
0x49: {  	[sflag:s10] =	ssyncadd.s32 $0xFFFFC000  }
0x4a: {  	s26 =	rddreg [dreg:$0xc];
	_ =	swait.ge [sflag:s16], $0x4000  }
0x4b: {  	[sflag:s16] =	ssyncset.done $0x0  }
0x4c: {  	s0 =	sor.u32 s26, s4;
	[sflag:s16] =	ssyncadd.s32 $0xFFFFC000  }
0x4d: {  	[tilespmem:s11], [sflag:$0x4] =	stream.indirect.gather [spmem:s2], $0x1, s3, s9, $0xb8;
	[tilespmem:$0x1F428] =	vst v63  }
0x4e: {  	s0 =	sor.u32 s6, s0;
	_ =	swait.ge [sflag:s12], $0x4000  }
0x4f: {  	s0 =	sshrl.u32 s0, $0x3;
	[sflag:s12] =	ssyncset.done $0x0  }
0x50: {  	s26 =	simm.s32 @!p1 $0x3;
	s0 =	sadd.s32 s1, s0;
	[sflag:s12] =	ssyncadd.s32 $0xFFFFC000  }
0x51: {  	[hbm4b:s0+s7] =	stream.strided.scatter [tilespmem:s11], [sflag:$0x6], $0x4000, s8, s7, $0x38;
	[tilespmem:$0x1F428] =	vst v63  }
0x52: {  	_ =	swait.ge @!p1 [sflag:s26], $0x4000  }
0x53: {  	[sflag:s26] =	ssyncset.done @!p1 $0x0  }
0x54: {  	s22 =	simm.s32 @!p0 $0x10;
	s28 =	simm.s32 @!p1 $0x7;
	[sflag:s26] =	ssyncadd.s32 @!p1 $0xFFFFC000  }
0x55: {  	s29 =	simm.s32 @!p1 $0xC000;
	s0 =	rddreg [dreg:$0xd];
	_ =	swait.ge @!p1 [sflag:s28], $0x4000  }
0x56: {  	s30 =	simm.s32 @!p1 $0x5;
	s0 =	sor.u32 @!p1 s0, s4;
	[sflag:s28] =	ssyncset.done @!p1 $0x0  }
0x57: {  	s31 =	simm.s32 $0x80;
	s0 =	sor.u32 @!p1 s6, s0;
	[sflag:s28] =	ssyncadd.s32 @!p1 $0xFFFFC000  }
0x58: {  	[tilespmem:s29], [sflag:$0x5] =	stream.indirect.gather @!p1 [spmem:s2], $0x1, s25, s25, $0xb8;
	[tilespmem:$0x1F428] =	vst v63  }
0x59: {  	s6 =	smov.u32 s20;
	s0 =	sshrl.u32 @!p1 s0, $0x3;
	_ =	swait.ge @!p1 [sflag:s30], $0x4000  }
0x5a: {  	s4 =	sadd.s32 @!p1 s1, s0;
	s0 =	sadd.s32 $0x1, s5;
	[sflag:s30] =	ssyncset.done @!p1 $0x0  }
.LBB2_2:
0x5b: {  	[sflag:s30] =	ssyncadd.s32 @!p1 $0xFFFFC000  }
0x5c: {  	[hbm4b:s4+s23] =	stream.strided.scatter @!p1 [tilespmem:s29], [sflag:$0x7], $0x4000, s24, s23, $0x38;
	[tilespmem:$0x1F428] =	vst v63  }
0x5d: {  	s4 =	sshrl.u32 @!p0 s0, $0x3;
	[bflag:$0x0] =	sbarrier.arrive $0xFFFF  }
0x5e: {  	s17 =	smov.u32 s31;
	s4 =	smul.u32 @!p0 $0x7A1400, s4;
	s5 =	rddreg [dreg:$0x6]  }
0x5f: {  	s18 =	sand.u32 @!p0 $0x380, s17;
	s19 =	rddreg [dreg:$0x5]  }
0x60: {  	s20 =	rddreg [dreg:$0x7];
	s4 =	sor.u32 @!p0 s18, s4  }
0x61: {  	[tilespmem:s3], [sflag:$0x2] =	stream.strided.gather [hbm4b:s5+s7], $0x4000, s8, s7, $0x38;
	[tilespmem:$0x1F428] =	vst v63  }
0x62: {  	s5 =	rddreg [dreg:$0xe];
	s4 =	sshrl.u32 @!p0 s4, $0x3  }
0x63: {  	[tilespmem:s9], [sflag:$0x3] =	stream.strided.gather [hbm4b:s20+s7], $0x4000, s8, s7, $0x38;
	[tilespmem:$0x1F428] =	vst v63  }
0x64: {  	s18 =	simm.s32 @!p0 $0x1C01;
	s4 =	sadd.s32 @!p0 s19, s4;
	s19 =	simm.s32 @!p0 $0x80  }
0x65: {  	[spmem:s5@s22], [sflag:s18] =	dma.strided @!p0 [hbm:s4@s19], $0x1E850, s21, $0x10   }
0x66: {  	_ =	swait.ge @!p0 [sflag:s21], $0x1E850  }
0x67: {  	[sflag:s21] =	ssyncset.done @!p0 $0x0  }
0x68: {  	[sflag:s21] =	ssyncadd.s32 @!p0 $0xFFFE17B0  }
0x69: {  	[bflag:$0x0] =	sbarrier.arrive $0xFFFF  }
0x6a: {  	_ =	swait.ge [sflag:s10], $0x4000  }
0x6b: {  	p3 =	seq.s32 s17, $0x0;
	[sflag:s10] =	ssyncset.done $0x0  }
0x6c: {  	s4 =	simm.s32 @!p3 $0x6;
	[sflag:s10] =	ssyncadd.s32 $0xFFFFC000  }
0x6d: {  	_ =	swait.ge @!p3 [sflag:s4], $0x4000  }
0x6e: {  	[sflag:s4] =	ssyncset.done @!p3 $0x0  }
0x6f: {  	[sflag:s4] =	ssyncadd.s32 @!p3 $0xFFFFC000  }
0x70: {  	[tilespmem:s11], [sflag:$0x4] =	stream.indirect.gather [spmem:s2], $0x1, s3, s9, $0xb8;
	[tilespmem:$0x1F428] =	vst v63  }
0x71: {  	s6 =	sadd.s32 $0x4000, s6;
	_ =	swait.ge [sflag:s12], $0x4000  }
0x72: {  	s4 =	sand.u32 $0x60000, s6;
	s19 =	rddreg [dreg:$0x8]  }
0x73: {  	s17 =	sand.u32 $0x380, s17;
	s5 =	sor.u32 s19, s4  }
0x74: {  	s5 =	sor.u32 s17, s5  }
0x75: {  	[sflag:s12] =	ssyncset.done $0x0;
	s5 =	sshrl.u32 s5, $0x3  }
0x76: {  	[sflag:s12] =	ssyncadd.s32 $0xFFFFC000;
	s5 =	sadd.s32 s1, s5  }
0x77: {  	[hbm4b:s5+s7] =	stream.strided.scatter [tilespmem:s11], [sflag:$0x6], $0x4000, s8, s7, $0x38;
	[tilespmem:$0x1F428] =	vst v63  }
0x78: {  	s20 =	rddreg [dreg:$0x9]  }
0x79: {  	[tilespmem:s3], [sflag:$0x2] =	stream.strided.gather [hbm4b:s20+s7], $0x4000, s8, s7, $0x38;
	[tilespmem:$0x1F428] =	vst v63  }
0x7a: {  	_ =	swait.ge [sflag:s13], $0x4000  }
0x7b: {  	[sflag:s13] =	ssyncset.done $0x0  }
0x7c: {  	s5 =	simm.s32 @!p3 $0x7;
	[sflag:s13] =	ssyncadd.s32 $0xFFFFC000  }
0x7d: {  	_ =	swait.ge @!p3 [sflag:s5], $0x4000  }
0x7e: {  	[sflag:s5] =	ssyncset.done @!p3 $0x0  }
0x7f: {  	[sflag:s5] =	ssyncadd.s32 @!p3 $0xFFFFC000  }
0x80: {  	[tilespmem:s14], [sflag:$0x5] =	stream.indirect.gather [spmem:s2], $0x1, s9, s9, $0xb8;
	[tilespmem:$0x1F428] =	vst v63  }
0x81: {  	_ =	swait.ge [sflag:s15], $0x4000  }
0x82: {  	s19 =	rddreg [dreg:$0xa]  }
0x83: {  	s5 =	sor.u32 s19, s4  }
0x84: {  	s5 =	sor.u32 s17, s5  }
0x85: {  	[sflag:s15] =	ssyncset.done $0x0;
	s5 =	sshrl.u32 s5, $0x3  }
0x86: {  	[sflag:s15] =	ssyncadd.s32 $0xFFFFC000;
	s5 =	sadd.s32 s1, s5  }
0x87: {  	[hbm4b:s5+s7] =	stream.strided.scatter [tilespmem:s14], [sflag:$0x7], $0x4000, s8, s7, $0x38;
	[tilespmem:$0x1F428] =	vst v63  }
0x88: {  	s18 =	rddreg [dreg:$0xb]  }
0x89: {  	[tilespmem:s25], [sflag:$0x3] =	stream.strided.gather @!p1 [hbm4b:s18+s23], $0x4000, s24, s23, $0x38;
	[tilespmem:$0x1F428] =	vst v63  }
0x8a: {  	_ =	swait.ge [sflag:s10], $0x4000  }
0x8b: {  	[sflag:s10] =	ssyncset.done $0x0  }
0x8c: {  	[sflag:s10] =	ssyncadd.s32 $0xFFFFC000  }
0x8d: {  	s20 =	rddreg [dreg:$0xc];
	_ =	swait.ge [sflag:s16], $0x4000  }
0x8e: {  	[sflag:s16] =	ssyncset.done $0x0  }
0x8f: {  	s5 =	sor.u32 s20, s4;
	[sflag:s16] =	ssyncadd.s32 $0xFFFFC000  }
0x90: {  	[tilespmem:s11], [sflag:$0x4] =	stream.indirect.gather [spmem:s2], $0x1, s3, s9, $0xb8;
	[tilespmem:$0x1F428] =	vst v63  }
0x91: {  	s5 =	sor.u32 s17, s5;
	_ =	swait.ge [sflag:s12], $0x4000  }
0x92: {  	s5 =	sshrl.u32 s5, $0x3;
	[sflag:s12] =	ssyncset.done $0x0  }
0x93: {  	s5 =	sadd.s32 s1, s5;
	[sflag:s12] =	ssyncadd.s32 $0xFFFFC000  }
0x94: {  	[hbm4b:s5+s7] =	stream.strided.scatter [tilespmem:s11], [sflag:$0x6], $0x4000, s8, s7, $0x38;
	[tilespmem:$0x1F428] =	vst v63  }
0x95: {  	_ =	swait.ge @!p1 [sflag:s26], $0x4000  }
0x96: {  	[sflag:s26] =	ssyncset.done @!p1 $0x0  }
0x97: {  	s31 =	sadd.s32 $0x80, s31;
	[sflag:s26] =	ssyncadd.s32 @!p1 $0xFFFFC000  }
0x98: {  	p2 =	sne.s32 s31, $0x800;
	s5 =	rddreg [dreg:$0xd];
	_ =	swait.ge @!p1 [sflag:s28], $0x4000  }
.Ltmp0:
0x99: {  	s4 =	sor.u32 @!p1 s5, s4;
	[sflag:s28] =	ssyncset.done @!p1 $0x0;
	(pc) =	sbr.rel @p2 .LBB2_2-.Ltmp0, $4  }
0x9a: {  	s4 =	sor.u32 @!p1 s17, s4;
	[sflag:s28] =	ssyncadd.s32 @!p1 $0xFFFFC000  }
0x9b: {  	[tilespmem:s29], [sflag:$0x5] =	stream.indirect.gather @!p1 [spmem:s2], $0x1, s25, s25, $0xb8;
	[tilespmem:$0x1F428] =	vst v63  }
0x9c: {  	s4 =	sshrl.u32 @!p1 s4, $0x3;
	_ =	swait.ge @!p1 [sflag:s30], $0x4000  }
0x9d: {  	s0 =	sadd.s32 $0x1, s0;
	s4 =	sadd.s32 @!p1 s1, s4;
	[sflag:s30] =	ssyncset.done @!p1 $0x0  }
0x9e: {  	[sflag:s30] =	ssyncadd.s32 @!p1 $0xFFFFC000  }
0x9f: {  	[hbm4b:s4+s23] =	stream.strided.scatter @!p1 [tilespmem:s29], [sflag:$0x7], $0x4000, s24, s23, $0x38;
	[tilespmem:$0x1F428] =	vst v63  }
0xa0: {  	[bflag:$0x0] =	sbarrier.arrive $0xFFFF  }
0xa1: {  	_ =	swait.ge [sflag:s16], $0x4000  }
0xa2: {  	[sflag:s16] =	ssyncset.done $0x0  }
0xa3: {  	s31 =	simm.s32 $0x7;
	[sflag:s16] =	ssyncadd.s32 $0xFFFFC000  }
0xa4: {  	_ =	swait.ge [sflag:s31], $0x4000  }
0xa5: {  	s5 =	rddreg [dreg:$0x12]  }
0xa6: {  	s0 =	rddreg [dreg:$0x10];
	s5 =	sadd.s32 $0x1, s5  }
0xa7: {  	p2 =	sne.s32 s5, s0  }
.Ltmp1:
0xa8: {  	_ = 	snop;
	(pc) =	sbr.rel @p2 .LBB2_1-.Ltmp1, $3  }
0xa9: {  	_ =	sdelay $0x1  }
0xaa: {  	[sflag:s31] =	ssyncset.done $0x0  }
0xab: {  	[sflag:s31] =	ssyncadd.s32 $0xFFFFC000  }
0xac: {  	_ =	sfence.sel $0x180000  }
0xad: {  	[bflag:$0x0] =	sbarrier.arrive $0xFFFF  }
0xae: {  	_ =	strace $0x90000047  }
0xaf: {  	[bflag:$0x2] =	sbarrier.arrive $0xFFFF  }
0xb0: {  	s0 =	rddreg [dreg:$0x4]  }
0xb1: {  	s0 =	sadd.s32 @!p0 $0x100000, s0  }
0xb2: {  	[sflag:s0] =	ssyncadd.tile.s32 @!p0 $0x1;
	_ =	shalt  }
.Lfunc_end2:
_tile_overlayer_lowered:
.L_overlay_start_2:
0xb3: {  	(tag) =	ssettag $0x2  }
0xb4: {  	s0 =	rddreg [dreg:$0x0];
	s2 =	stileid.u32  }
0xb5: {  	s1 =	rddreg [dreg:$0x1];
	p0 =	sne.s32 s2, $0x0  }
0xb6: {  	s3 =	rddreg [dreg:$0x2];
	[bflag:$0x3] =	sbarrier.arrive $0xFFFF;
	s2 =	simm.s32 @!p0 $0x1C08  }
0xb7: {  	[timem:s3], [sflag:s2] =	dma.local @!p0 [hbm:s0], s1  }
0xb8: {  	s0 =	simm.s32 @!p0 $0x8  }
0xb9: {  	_ =	swait.ge @!p0 [sflag:s0], s1  }
0xba: {  	s1 =	ssub.s32 @!p0 $0x0, s1;
	[sflag:s0] =	ssyncset.done @!p0 $0x0  }
0xbb: {  	[sflag:s0] =	ssyncadd.s32 @!p0 s1  }
0xbc: {  	[bflag:$0x3] =	sbarrier.arrive $0xFFFF  }
0xbd: {  	_ =	shalt  }

</sc_bundles>
